<compile_context>
chip_gen: v7x
topology: tpu7x:2x2x1
jax: 0.10.2.dev20260603
libtpu: 0.0.44.dev20260713+nightly
codegen_flags: <defaults>
</compile_context>

<pallas_src>
import functools

import numpy as np

import jax
import jax.numpy as jnp
from jax import lax
from jax.experimental import pallas as pl
from jax.experimental.pallas import tpu as pltpu
import jax.experimental.pallas.tpu_sc as plsc

N = 10000
F = 128
HID = 32
NH = 4
NCLS = 32
ALPHA = 0.2
E = 320000

UW = 80
VW = 48

B = 128
SROWS = 10112

TA = 160
TB = 80
EPAD = 16 * TA * B

RB = 400
GRID = N // RB

ZROWS = SROWS // 16
OLAST = N - 15 * ZROWS


def _zero_fill(buf, acc, s):
    width = buf.shape[1]

    def zrow(r, carry):
        def zcol(j, carry2):
            buf[r, pl.ds(j * 16, 16)] = jnp.zeros((16,), jnp.float32)
            return carry2
        return lax.fori_loop(0, width // 16, zcol, carry)
    lax.fori_loop(0, B, zrow, 0)

    zbase = s * ZROWS
    for k in range(ZROWS // B):
        pltpu.sync_copy(buf, acc.at[pl.ds(zbase + k * B, B)])
    rem = ZROWS % B
    if rem:
        pltpu.sync_copy(buf.at[pl.ds(0, rem)],
                        acc.at[pl.ds(zbase + (ZROWS // B) * B, rem)])


def _edge_loop(table, acc, src_v, dst_v, bufs, sems, steps):
    nb = len(bufs)
    for b in range(nb):
        pltpu.async_copy(table.at[dst_v.at[b]], bufs[b], sems[b])

    def body(g, carry):
        for b in range(nb):
            t = g * nb + b
            pltpu.make_async_copy(table.at[dst_v.at[t]], bufs[b],
                                  sems[b]).wait()
            pltpu.sync_copy(bufs[b], acc.at[src_v.at[t]], add=True)

            @pl.when(t + nb < steps)
            def _():
                pltpu.async_copy(table.at[dst_v.at[t + nb]], bufs[b], sems[b])
        return carry
    lax.fori_loop(0, steps // nb, body, 0)


def _copy_out(acc, out, s):
    @pl.when(s < 15)
    def _():
        ob = s * ZROWS
        pltpu.sync_copy(acc.at[pl.ds(ob, ZROWS)], out.at[pl.ds(ob, ZROWS)])

    @pl.when(s == 15)
    def _():
        pltpu.sync_copy(acc.at[pl.ds(15 * ZROWS, OLAST)],
                        out.at[pl.ds(15 * ZROWS, OLAST)])


def _sc_pass_a():
    mesh = plsc.VectorSubcoreMesh(core_axis_name="c", subcore_axis_name="s")
    out_sd = jax.ShapeDtypeStruct((N, UW), jnp.float32)

    @functools.partial(
        pl.kernel,
        out_type=(out_sd, out_sd),
        mesh=mesh,
        scratch_types=[
            pltpu.VMEM((TA, B), jnp.int32),
            pltpu.VMEM((TA, B), jnp.int32),
            pltpu.VMEM((B, UW), jnp.float32),
            pltpu.VMEM((B, UW), jnp.float32),
            pltpu.VMEM_SHARED((SROWS, UW), jnp.float32),
            pltpu.SemaphoreType.DMA,
            pltpu.SemaphoreType.DMA,
        ],
        compiler_params=pltpu.CompilerParams(use_tc_tiling_on_sc=False),
    )
    def sc_a(u0, u1, src_hbm, dst_hbm, out0, out1, src_v, dst_v, bufa, bufb,
             acc, sema, semb):
        c = lax.axis_index("c")
        s = lax.axis_index("s")

        _zero_fill(bufa, acc, s)
        plsc.subcore_barrier()

        pltpu.sync_copy(src_hbm.at[s], src_v)
        pltpu.sync_copy(dst_hbm.at[s], dst_v)

        @pl.when(c == 0)
        def _():
            _edge_loop(u0, acc, src_v, dst_v, (bufa, bufb), (sema, semb), TA)

        @pl.when(c == 1)
        def _():
            _edge_loop(u1, acc, src_v, dst_v, (bufa, bufb), (sema, semb), TA)

        plsc.subcore_barrier()

        @pl.when(c == 0)
        def _():
            _copy_out(acc, out0, s)

        @pl.when(c == 1)
        def _():
            _copy_out(acc, out1, s)

    return sc_a


def _sc_pass_b():
    mesh = plsc.VectorSubcoreMesh(core_axis_name="c", subcore_axis_name="s")
    out_sd = jax.ShapeDtypeStruct((N, VW), jnp.float32)

    @functools.partial(
        pl.kernel,
        out_type=(out_sd, out_sd),
        mesh=mesh,
        scratch_types=[
            pltpu.VMEM((TB, B), jnp.int32),
            pltpu.VMEM((TB, B), jnp.int32),
            pltpu.VMEM((B, VW), jnp.float32),
            pltpu.VMEM((B, VW), jnp.float32),
            pltpu.VMEM((B, VW), jnp.float32),
            pltpu.VMEM((B, VW), jnp.float32),
            pltpu.VMEM_SHARED((SROWS, VW), jnp.float32),
            pltpu.SemaphoreType.DMA,
            pltpu.SemaphoreType.DMA,
            pltpu.SemaphoreType.DMA,
            pltpu.SemaphoreType.DMA,
        ],
        compiler_params=pltpu.CompilerParams(use_tc_tiling_on_sc=False),
    )
    def sc_b(table, src_hbm, dst_hbm, out0, out1, src_v, dst_v, b0, b1, b2, b3,
             acc, s0, s1, s2, s3):
        c = lax.axis_index("c")
        s = lax.axis_index("s")
        wid = c * 16 + s

        _zero_fill(b0, acc, s)
        plsc.subcore_barrier()

        pltpu.sync_copy(src_hbm.at[wid], src_v)
        pltpu.sync_copy(dst_hbm.at[wid], dst_v)

        _edge_loop(table, acc, src_v, dst_v, (b0, b1, b2, b3),
                   (s0, s1, s2, s3), TB)

        plsc.subcore_barrier()

        @pl.when(c == 0)
        def _():
            _copy_out(acc, out0, s)

        @pl.when(c == 1)
        def _():
            _copy_out(acc, out1, s)

    return sc_b


_sc_scatter_a = _sc_pass_a()
_sc_scatter_b = _sc_pass_b()


def _tc_dense1(x, wcat, a2):
    def body(x_ref, w_ref, a_ref, wh_ref, e2_ref):
        z = jnp.dot(x_ref[...], w_ref[...], preferred_element_type=jnp.float32)
        wh = jnp.where(z > 0, z, ALPHA * z)
        wh_ref[...] = wh
        e2_ref[...] = jnp.dot(wh, a_ref[...], preferred_element_type=jnp.float32)

    return pl.pallas_call(
        body,
        grid=(GRID,),
        in_specs=[
            pl.BlockSpec((RB, F), lambda i: (i, 0)),
            pl.BlockSpec((F, F), lambda i: (0, 0)),
            pl.BlockSpec((F, 8), lambda i: (0, 0)),
        ],
        out_specs=[
            pl.BlockSpec((RB, F), lambda i: (i, 0)),
            pl.BlockSpec((RB, 8), lambda i: (i, 0)),
        ],
        out_shape=[
            jax.ShapeDtypeStruct((N, F), jnp.float32),
            jax.ShapeDtypeStruct((N, 8), jnp.float32),
        ],
    )(x, wcat, a2)


def _tc_build_u(wh, e2, p0, p1, esc0, esc1, eden0, eden1):
    def body(wh_ref, e2b_ref, e2f_ref, p0_ref, p1_ref, esc0_ref, esc1_ref,
             eden0_ref, eden1_ref, u0_ref, u1_ref):
        cmax = jnp.max(e2f_ref[...], axis=0)
        g = jnp.exp(e2b_ref[...] - cmax[None, :])
        wh_v = wh_ref[...]
        for p_ref, esc_ref, eden_ref, u_ref in (
                (p0_ref, esc0_ref, eden0_ref, u0_ref),
                (p1_ref, esc1_ref, eden1_ref, u1_ref)):
            feat = jnp.dot(wh_v, p_ref[...], preferred_element_type=jnp.float32)
            scale = jnp.dot(g, esc_ref[...], preferred_element_type=jnp.float32)
            den = jnp.dot(g, eden_ref[...], preferred_element_type=jnp.float32)
            u_ref[...] = feat * scale + den

    return pl.pallas_call(
        body,
        grid=(GRID,),
        in_specs=[
            pl.BlockSpec((RB, F), lambda i: (i, 0)),
            pl.BlockSpec((RB, 8), lambda i: (i, 0)),
            pl.BlockSpec((N, 8), lambda i: (0, 0)),
            pl.BlockSpec((F, UW), lambda i: (0, 0)),
            pl.BlockSpec((F, UW), lambda i: (0, 0)),
            pl.BlockSpec((8, UW), lambda i: (0, 0)),
            pl.BlockSpec((8, UW), lambda i: (0, 0)),
            pl.BlockSpec((8, UW), lambda i: (0, 0)),
            pl.BlockSpec((8, UW), lambda i: (0, 0)),
        ],
        out_specs=[
            pl.BlockSpec((RB, UW), lambda i: (i, 0)),
            pl.BlockSpec((RB, UW), lambda i: (i, 0)),
        ],
        out_shape=[
            jax.ShapeDtypeStruct((N, UW), jnp.float32),
            jax.ShapeDtypeStruct((N, UW), jnp.float32),
        ],
    )(wh, e2, e2, p0, p1, esc0, esc1, eden0, eden1)


def _tc_dense2(pa0, pa1, wout, a2b, q0, q1, dsel, e4):
    def body(p0_ref, p1_ref, w_ref, a_ref, q0_ref, q1_ref, d_ref, e4_ref,
             wh2_ref, e2b_ref):
        s0 = p0_ref[...]
        s1 = p1_ref[...]
        num = (jnp.dot(s0, q0_ref[...], preferred_element_type=jnp.float32)
               + jnp.dot(s1, q1_ref[...], preferred_element_type=jnp.float32))
        den = (jnp.dot(s0, d_ref[...][:, :4], preferred_element_type=jnp.float32)
               + jnp.dot(s1, d_ref[...][:, 4:], preferred_element_type=jnp.float32))
        dinv = 1.0 / jnp.maximum(den, 1e-16)
        scale = jnp.dot(dinv, e4_ref[...], preferred_element_type=jnp.float32)
        hp = num * scale
        hcat = jnp.where(hp > 0, hp, jnp.exp(hp) - 1.0)
        z = jnp.dot(hcat, w_ref[...], preferred_element_type=jnp.float32)
        wh2 = jnp.where(z > 0, z, ALPHA * z)
        wh2_ref[...] = wh2
        e2b_ref[...] = jnp.dot(wh2, a_ref[...], preferred_element_type=jnp.float32)

    return pl.pallas_call(
        body,
        grid=(GRID,),
        in_specs=[
            pl.BlockSpec((RB, UW), lambda i: (i, 0)),
            pl.BlockSpec((RB, UW), lambda i: (i, 0)),
            pl.BlockSpec((F, NCLS), lambda i: (0, 0)),
            pl.BlockSpec((NCLS, 8), lambda i: (0, 0)),
            pl.BlockSpec((UW, F), lambda i: (0, 0)),
            pl.BlockSpec((UW, F), lambda i: (0, 0)),
            pl.BlockSpec((UW, 8), lambda i: (0, 0)),
            pl.BlockSpec((NH, F), lambda i: (0, 0)),
        ],
        out_specs=[
            pl.BlockSpec((RB, NCLS), lambda i: (i, 0)),
            pl.BlockSpec((RB, 8), lambda i: (i, 0)),
        ],
        out_shape=[
            jax.ShapeDtypeStruct((N, NCLS), jnp.float32),
            jax.ShapeDtypeStruct((N, 8), jnp.float32),
        ],
    )(pa0, pa1, wout, a2b, q0, q1, dsel, e4)


def _tc_build_v(wh2, e2b, p3, e3, e3den):
    def body(wh2_ref, e2b_ref, e2f_ref, p3_ref, e3_ref, e3d_ref, v_ref):
        cmax = jnp.max(e2f_ref[...][:, 0])
        g = jnp.exp(e2b_ref[...][:, 0:1] - cmax)
        feat = jnp.dot(wh2_ref[...], p3_ref[...],
                       preferred_element_type=jnp.float32)
        scale = jnp.dot(g, e3_ref[...], preferred_element_type=jnp.float32)
        den = jnp.dot(g, e3d_ref[...], preferred_element_type=jnp.float32)
        v_ref[...] = feat * scale + den

    return pl.pallas_call(
        body,
        grid=(GRID,),
        in_specs=[
            pl.BlockSpec((RB, NCLS), lambda i: (i, 0)),
            pl.BlockSpec((RB, 8), lambda i: (i, 0)),
            pl.BlockSpec((N, 8), lambda i: (0, 0)),
            pl.BlockSpec((NCLS, VW), lambda i: (0, 0)),
            pl.BlockSpec((1, VW), lambda i: (0, 0)),
            pl.BlockSpec((1, VW), lambda i: (0, 0)),
        ],
        out_specs=pl.BlockSpec((RB, VW), lambda i: (i, 0)),
        out_shape=jax.ShapeDtypeStruct((N, VW), jnp.float32),
    )(wh2, e2b, e2b, p3, e3, e3den)


def _tc_final(pb0, pb1):
    def body(p0_ref, p1_ref, o_ref):
        sacc = p0_ref[...] + p1_ref[...]
        den = jnp.maximum(sacc[:, NCLS:NCLS + 1], 1e-16)
        o = sacc[:, :NCLS] / den
        o = jnp.where(o > 0, o, jnp.exp(o) - 1.0)
        m = jnp.max(o, axis=1, keepdims=True)
        ex = jnp.exp(o - m)
        o_ref[...] = o - (jnp.log(jnp.sum(ex, axis=1, keepdims=True)) + m)

    return pl.pallas_call(
        body,
        grid=(GRID,),
        in_specs=[
            pl.BlockSpec((RB, VW), lambda i: (i, 0)),
            pl.BlockSpec((RB, VW), lambda i: (i, 0)),
        ],
        out_specs=pl.BlockSpec((RB, NCLS), lambda i: (i, 0)),
        out_shape=jax.ShapeDtypeStruct((N, NCLS), jnp.float32),
    )(pb0, pb1)


def kernel(x, edge_index, W0, a0, W1, a1, W2, a2, W3, a3, W_out, a_out):
    x = x.astype(jnp.float32)
    ei = edge_index.astype(jnp.int32)
    pad = EPAD - E
    sink = N + (jnp.arange(pad, dtype=jnp.int32) % (SROWS - N))
    srcp = jnp.concatenate([ei[0], sink])
    dstp = jnp.concatenate([ei[1], jnp.zeros((pad,), jnp.int32)])
    src_a = srcp.reshape(16, TA, B)
    dst_a = dstp.reshape(16, TA, B)
    src_b = srcp.reshape(32, TB, B)
    dst_b = dstp.reshape(32, TB, B)

    wcat = jnp.concatenate([W0, W1, W2, W3], axis=1)
    a2cols = [
        jnp.zeros((F, 1), jnp.float32).at[h * HID:(h + 1) * HID].set(a[HID:2 * HID])
        for h, a in enumerate((a0, a1, a2, a3))
    ]
    a2 = jnp.concatenate(a2cols + [jnp.zeros((F, 4), jnp.float32)], axis=1)
    a2b = jnp.concatenate([a_out[NCLS:2 * NCLS], jnp.zeros((NCLS, 7), jnp.float32)],
                          axis=1)

    p0 = np.zeros((F, UW), np.float32)
    p0[0:64, 0:64] = np.eye(64)
    p1 = np.zeros((F, UW), np.float32)
    p1[64:128, 0:64] = np.eye(64)
    esc0 = np.zeros((8, UW), np.float32)
    esc0[0, 0:HID] = 1.0
    esc0[1, HID:2 * HID] = 1.0
    esc1 = np.zeros((8, UW), np.float32)
    esc1[2, 0:HID] = 1.0
    esc1[3, HID:2 * HID] = 1.0
    eden0 = np.zeros((8, UW), np.float32)
    eden0[0, 64] = 1.0
    eden0[1, 65] = 1.0
    eden1 = np.zeros((8, UW), np.float32)
    eden1[2, 64] = 1.0
    eden1[3, 65] = 1.0
    q0 = np.zeros((UW, F), np.float32)
    q0[0:64, 0:64] = np.eye(64)
    q1 = np.zeros((UW, F), np.float32)
    q1[0:64, 64:128] = np.eye(64)
    dsel = np.zeros((UW, 8), np.float32)
    dsel[64, 0] = 1.0
    dsel[65, 1] = 1.0
    dsel[64, 6] = 1.0
    dsel[65, 7] = 1.0
    e4 = np.zeros((NH, F), np.float32)
    for h in range(NH):
        e4[h, h * HID:(h + 1) * HID] = 1.0
    p3 = np.zeros((NCLS, VW), np.float32)
    p3[:, :NCLS] = np.eye(NCLS)
    e3 = np.zeros((1, VW), np.float32)
    e3[0, :NCLS] = 1.0
    e3den = np.zeros((1, VW), np.float32)
    e3den[0, NCLS] = 1.0

    wh, e2 = _tc_dense1(x, wcat, a2)
    u0, u1 = _tc_build_u(wh, e2, jnp.asarray(p0), jnp.asarray(p1),
                         jnp.asarray(esc0), jnp.asarray(esc1),
                         jnp.asarray(eden0), jnp.asarray(eden1))
    pa0, pa1 = _sc_scatter_a(u0, u1, src_a, dst_a)
    wh2, e2b = _tc_dense2(pa0, pa1, W_out, a2b, jnp.asarray(q0),
                          jnp.asarray(q1), jnp.asarray(dsel), jnp.asarray(e4))
    v = _tc_build_v(wh2, e2b, jnp.asarray(p3), jnp.asarray(e3),
                    jnp.asarray(e3den))
    pb0, pb1 = _sc_scatter_b(v, src_b, dst_b)
    return _tc_final(pb0, pb1)

# --- scband reference (transcript-rebuilt; emitter-appended) ---
"""Pipeline reference for scband-gatv2-45277545234536 (READ-ONLY COPY).

The authoritative reference and input builder live on the scoring server;
editing this copy changes nothing except your own understanding.
"""

import jax, jax.numpy as jnp
import numpy as np

NNODE = 10000
NFEAT = 128
NHID = 32
NCLASS = 32
NHEADS = 4
ALPHA = 0.2
N_EDGES = 320000


def _xavier(key, shape, gain=1.414):
    fan_in, fan_out = shape[0], shape[1]
    a = gain * np.sqrt(6.0 / (fan_in + fan_out))
    return jax.random.uniform(key, shape, dtype=jnp.float32, minval=-a, maxval=a)


def setup_inputs(seed: int = 0) -> dict:
    key = jax.random.key(seed)
    ks = jax.random.split(key, 2 + 2 * NHEADS + 2)
    inp = {}
    inp["x"] = jax.random.normal(ks[0], (NNODE, NFEAT), dtype=jnp.float32)
    inp["edge_index"] = jax.random.randint(ks[1], (2, N_EDGES), 0, NNODE, dtype=jnp.int64) if jax.config.read("jax_enable_x64") else jax.random.randint(ks[1], (2, N_EDGES), 0, NNODE, dtype=jnp.int32)
    for h in range(NHEADS):
        inp[f"W{h}"] = _xavier(ks[2 + 2 * h], (NFEAT, NHID))
        inp[f"a{h}"] = _xavier(ks[3 + 2 * h], (2 * NHID, 1))
    inp["W_out"] = _xavier(ks[2 + 2 * NHEADS], (NHID * NHEADS, NCLASS))
    inp["a_out"] = _xavier(ks[3 + 2 * NHEADS], (2 * NCLASS, 1))
    return inp


def _gat_layer(h, W, a, edge_index, nnode, out_features, alpha, concat):
    Wh = jax.nn.leaky_relu(h @ W, negative_slope=alpha)
    e1 = Wh @ a[:out_features, :]  # [N, 1]
    e2 = Wh @ a[out_features:, :]  # [N, 1]
    src = edge_index[0]
    dst = edge_index[1]
    e = (e1[src] + e2[dst]).reshape(-1)  # [E]
    # sparse softmax over dim=1 (per source-node row)
    m = jax.ops.segment_max(e, src, num_segments=nnode)
    m = jnp.where(jnp.isfinite(m), m, 0.0)
    ex = jnp.exp(e - m[src])
    denom = jax.ops.segment_sum(ex, src, num_segments=nnode)
    attn = ex / jnp.maximum(denom[src], 1e-16)
    # sparse mm: h_prime[i] = sum_{(i,j) in E} attn_ij * Wh[j]
    msgs = attn[:, None] * Wh[dst]
    h_prime = jax.ops.segment_sum(msgs, src, num_segments=nnode)
    if concat:
        return jax.nn.elu(h_prime)
    return h_prime


def reference(x, edge_index, W0, a0, W1, a1, W2, a2, W3, a3, W_out, a_out):
    Ws = [W0, W1, W2, W3]
    As = [a0, a1, a2, a3]
    heads = [_gat_layer(x, Ws[i], As[i], edge_index, NNODE, NHID, ALPHA, True) for i in range(NHEADS)]
    h = jnp.concatenate(heads, axis=1)
    out = _gat_layer(h, W_out, a_out, edge_index, NNODE, NCLASS, ALPHA, False)
    out = jax.nn.elu(out)
    return jax.nn.log_softmax(out, axis=1)

if __name__ == "__main__":
    import jax
    _d = setup_inputs()
    print(jax.jit(kernel)(*tuple(_d.values())))

</pallas_src>

<mosaic_0001>
#map = affine_map<(d0, d1) -> (0, 0)>
#map1 = affine_map<(d0, d1) -> (0, 0, 0)>
module attributes {stable_mosaic.version = 14 : i64} {
  func.func @sc_b(%arg0: i32, %arg1: i32, %arg2: memref<10000x48xf32, #tpu.memory_space<hbm>>, %arg3: memref<32x80x128xi32, #tpu.memory_space<hbm>>, %arg4: memref<32x80x128xi32, #tpu.memory_space<hbm>>, %arg5: memref<10000x48xf32, #tpu.memory_space<hbm>>, %arg6: memref<10000x48xf32, #tpu.memory_space<hbm>>, %arg7: memref<80x128xi32, #tpu.memory_space<vmem>>, %arg8: memref<80x128xi32, #tpu.memory_space<vmem>>, %arg9: memref<128x48xf32, #tpu.memory_space<vmem>>, %arg10: memref<128x48xf32, #tpu.memory_space<vmem>>, %arg11: memref<128x48xf32, #tpu.memory_space<vmem>>, %arg12: memref<128x48xf32, #tpu.memory_space<vmem>>, %arg13: memref<10112x48xf32, #tpu.memory_space<vmem_shared>>, %arg14: memref<!tpu.dma_semaphore, #tpu.memory_space<semaphore_mem>>, %arg15: memref<!tpu.dma_semaphore, #tpu.memory_space<semaphore_mem>>, %arg16: memref<!tpu.dma_semaphore, #tpu.memory_space<semaphore_mem>>, %arg17: memref<!tpu.dma_semaphore, #tpu.memory_space<semaphore_mem>>) attributes {dimension_semantics = [#tpu.dimension_semantics<core_parallel>, #tpu.dimension_semantics<subcore_parallel>], iteration_bounds = array<i64: 2, 16>, scalar_prefetch = 0 : i64, scratch_operands = 11 : i64, tpu.core_type = #tpu.core_type<sc_vector_subcore>, window_params = [{transform_indices = #map}, {transform_indices = #map1}, {transform_indices = #map1}, {transform_indices = #map}, {transform_indices = #map}]} {
    %mul3A = arith.constant 16 : i32
    %mul3A_0 = arith.muli %arg0, %mul3A : i32
    %add3A = arith.addi %mul3A_0, %arg1 : i32
    %scan3A = arith.constant 0 : i32
    %scan3A_1 = arith.constant 0 : i32
    %scan3A_2 = arith.constant 128 : i32
    %scan3A_3 = arith.addi %scan3A_1, %scan3A_2 : i32
    %scan3A_4 = arith.constant 1 : i32
    scf.for %scan3A_59 = %scan3A_1 to %scan3A_3 step %scan3A_4  : i32 {
      %scan3A_60 = arith.constant 0 : i32
      %scan3A_61 = arith.constant 3 : i32
      %scan3A_62 = arith.addi %scan3A_60, %scan3A_61 : i32
      %scan3A_63 = arith.constant 1 : i32
      scf.for %scan3A_65 = %scan3A_60 to %scan3A_62 step %scan3A_63  : i32 {
        %broadcast_in_dim3A = arith.constant 0.000000e+00 : f32
        %broadcast_in_dim3A_66 = vector.broadcast %broadcast_in_dim3A : f32 to vector<16xf32>
        %mul3A_67 = arith.constant 16 : i32
        %mul3A_68 = arith.muli %scan3A_65, %mul3A_67 : i32
        %swap3A = arith.index_cast %scan3A_59 : i32 to index
        %swap3A_69 = arith.index_cast %mul3A_68 : i32 to index
        %swap3A_70 = tpu.vector_load %arg9[%swap3A, %swap3A_69] {strides = array<i32>} : memref<128x48xf32, #tpu.memory_space<vmem>>, vector<1x16xf32>,
        %swap3A_71 = vector.shape_cast %swap3A_70 : vector<1x16xf32> to vector<16xf32>
        %swap3A_72 = vector.shape_cast %broadcast_in_dim3A_66 : vector<16xf32> to vector<1x16xf32>
        tpu.vector_store %arg9[%swap3A, %swap3A_69], %swap3A_72 {strides = array<i32>} : memref<128x48xf32, #tpu.memory_space<vmem>>, vector<1x16xf32>,
      }
      %scan3A_64 = arith.constant 3 : i32
    }
    %scan3A_5 = arith.constant 128 : i32
    %mul3A_6 = arith.constant 632 : i32
    %mul3A_7 = arith.muli %arg1, %mul3A_6 : i32
    %add3A_8 = arith.constant 0 : i32
    %add3A_9 = arith.addi %mul3A_7, %add3A_8 : i32
    "tpu.region"() ({
      %run_scoped3A = tpu.sem_alloc : memref<!tpu.dma_semaphore, #tpu.memory_space<semaphore_mem>>
      %dma_start3A_59 = arith.constant 0 : i32
      %dma_start3A_60 = tpu.memref_slice %arg13[%add3A_9, %dma_start3A_59] : memref<10112x48xf32, #tpu.memory_space<vmem_shared>> -> memref<128x48xf32, #tpu.memory_space<vmem_shared>>
      %dma_start3A_61 = arith.constant 0 : i32
      %dma_start3A_62 = tpu.memref_slice %arg13[%add3A_9, %dma_start3A_61] : memref<10112x48xf32, #tpu.memory_space<vmem_shared>> -> memref<128x48xf32, #tpu.memory_space<vmem_shared>>
      tpu.enqueue_dma source(%arg9 : memref<128x48xf32, #tpu.memory_space<vmem>>) target(%dma_start3A_62 : memref<128x48xf32, #tpu.memory_space<vmem_shared>>) target_semaphore(%run_scoped3A : memref<!tpu.dma_semaphore, #tpu.memory_space<semaphore_mem>>)
      %dma_wait3A = arith.constant 0 : i32
      %dma_wait3A_63 = tpu.memref_slice %arg13[%add3A_9, %dma_wait3A] : memref<10112x48xf32, #tpu.memory_space<vmem_shared>> -> memref<128x48xf32, #tpu.memory_space<vmem_shared>>
      %dma_wait3A_64 = arith.constant 0 : i32
      %dma_wait3A_65 = tpu.memref_slice %arg13[%add3A_9, %dma_wait3A_64] : memref<10112x48xf32, #tpu.memory_space<vmem_shared>> -> memref<128x48xf32, #tpu.memory_space<vmem_shared>>
      tpu.wait_dma2 semaphore(%run_scoped3A : memref<!tpu.dma_semaphore, #tpu.memory_space<semaphore_mem>>) src(%arg9 : memref<128x48xf32, #tpu.memory_space<vmem>>) dst(%dma_wait3A_65 : memref<128x48xf32, #tpu.memory_space<vmem_shared>>)
      tpu.yield
    }) : () -> ()
    %add3A_10 = arith.constant 128 : i32
    %add3A_11 = arith.addi %mul3A_7, %add3A_10 : i32
    "tpu.region"() ({
      %run_scoped3A = tpu.sem_alloc : memref<!tpu.dma_semaphore, #tpu.memory_space<semaphore_mem>>
      %dma_start3A_59 = arith.constant 0 : i32
      %dma_start3A_60 = tpu.memref_slice %arg13[%add3A_11, %dma_start3A_59] : memref<10112x48xf32, #tpu.memory_space<vmem_shared>> -> memref<128x48xf32, #tpu.memory_space<vmem_shared>>
      %dma_start3A_61 = arith.constant 0 : i32
      %dma_start3A_62 = tpu.memref_slice %arg13[%add3A_11, %dma_start3A_61] : memref<10112x48xf32, #tpu.memory_space<vmem_shared>> -> memref<128x48xf32, #tpu.memory_space<vmem_shared>>
      tpu.enqueue_dma source(%arg9 : memref<128x48xf32, #tpu.memory_space<vmem>>) target(%dma_start3A_62 : memref<128x48xf32, #tpu.memory_space<vmem_shared>>) target_semaphore(%run_scoped3A : memref<!tpu.dma_semaphore, #tpu.memory_space<semaphore_mem>>)
      %dma_wait3A = arith.constant 0 : i32
      %dma_wait3A_63 = tpu.memref_slice %arg13[%add3A_11, %dma_wait3A] : memref<10112x48xf32, #tpu.memory_space<vmem_shared>> -> memref<128x48xf32, #tpu.memory_space<vmem_shared>>
      %dma_wait3A_64 = arith.constant 0 : i32
      %dma_wait3A_65 = tpu.memref_slice %arg13[%add3A_11, %dma_wait3A_64] : memref<10112x48xf32, #tpu.memory_space<vmem_shared>> -> memref<128x48xf32, #tpu.memory_space<vmem_shared>>
      tpu.wait_dma2 semaphore(%run_scoped3A : memref<!tpu.dma_semaphore, #tpu.memory_space<semaphore_mem>>) src(%arg9 : memref<128x48xf32, #tpu.memory_space<vmem>>) dst(%dma_wait3A_65 : memref<128x48xf32, #tpu.memory_space<vmem_shared>>)
      tpu.yield
    }) : () -> ()
    %add3A_12 = arith.constant 256 : i32
    %add3A_13 = arith.addi %mul3A_7, %add3A_12 : i32
    "tpu.region"() ({
      %run_scoped3A = tpu.sem_alloc : memref<!tpu.dma_semaphore, #tpu.memory_space<semaphore_mem>>
      %dma_start3A_59 = arith.constant 0 : i32
      %dma_start3A_60 = tpu.memref_slice %arg13[%add3A_13, %dma_start3A_59] : memref<10112x48xf32, #tpu.memory_space<vmem_shared>> -> memref<128x48xf32, #tpu.memory_space<vmem_shared>>
      %dma_start3A_61 = arith.constant 0 : i32
      %dma_start3A_62 = tpu.memref_slice %arg13[%add3A_13, %dma_start3A_61] : memref<10112x48xf32, #tpu.memory_space<vmem_shared>> -> memref<128x48xf32, #tpu.memory_space<vmem_shared>>
      tpu.enqueue_dma source(%arg9 : memref<128x48xf32, #tpu.memory_space<vmem>>) target(%dma_start3A_62 : memref<128x48xf32, #tpu.memory_space<vmem_shared>>) target_semaphore(%run_scoped3A : memref<!tpu.dma_semaphore, #tpu.memory_space<semaphore_mem>>)
      %dma_wait3A = arith.constant 0 : i32
      %dma_wait3A_63 = tpu.memref_slice %arg13[%add3A_13, %dma_wait3A] : memref<10112x48xf32, #tpu.memory_space<vmem_shared>> -> memref<128x48xf32, #tpu.memory_space<vmem_shared>>
      %dma_wait3A_64 = arith.constant 0 : i32
      %dma_wait3A_65 = tpu.memref_slice %arg13[%add3A_13, %dma_wait3A_64] : memref<10112x48xf32, #tpu.memory_space<vmem_shared>> -> memref<128x48xf32, #tpu.memory_space<vmem_shared>>
      tpu.wait_dma2 semaphore(%run_scoped3A : memref<!tpu.dma_semaphore, #tpu.memory_space<semaphore_mem>>) src(%arg9 : memref<128x48xf32, #tpu.memory_space<vmem>>) dst(%dma_wait3A_65 : memref<128x48xf32, #tpu.memory_space<vmem_shared>>)
      tpu.yield
    }) : () -> ()
    %add3A_14 = arith.constant 384 : i32
    %add3A_15 = arith.addi %mul3A_7, %add3A_14 : i32
    "tpu.region"() ({
      %run_scoped3A = tpu.sem_alloc : memref<!tpu.dma_semaphore, #tpu.memory_space<semaphore_mem>>
      %dma_start3A_59 = arith.constant 0 : i32
      %dma_start3A_60 = tpu.memref_slice %arg13[%add3A_15, %dma_start3A_59] : memref<10112x48xf32, #tpu.memory_space<vmem_shared>> -> memref<128x48xf32, #tpu.memory_space<vmem_shared>>
      %dma_start3A_61 = arith.constant 0 : i32
      %dma_start3A_62 = tpu.memref_slice %arg13[%add3A_15, %dma_start3A_61] : memref<10112x48xf32, #tpu.memory_space<vmem_shared>> -> memref<128x48xf32, #tpu.memory_space<vmem_shared>>
      tpu.enqueue_dma source(%arg9 : memref<128x48xf32, #tpu.memory_space<vmem>>) target(%dma_start3A_62 : memref<128x48xf32, #tpu.memory_space<vmem_shared>>) target_semaphore(%run_scoped3A : memref<!tpu.dma_semaphore, #tpu.memory_space<semaphore_mem>>)
      %dma_wait3A = arith.constant 0 : i32
      %dma_wait3A_63 = tpu.memref_slice %arg13[%add3A_15, %dma_wait3A] : memref<10112x48xf32, #tpu.memory_space<vmem_shared>> -> memref<128x48xf32, #tpu.memory_space<vmem_shared>>
      %dma_wait3A_64 = arith.constant 0 : i32
      %dma_wait3A_65 = tpu.memref_slice %arg13[%add3A_15, %dma_wait3A_64] : memref<10112x48xf32, #tpu.memory_space<vmem_shared>> -> memref<128x48xf32, #tpu.memory_space<vmem_shared>>
      tpu.wait_dma2 semaphore(%run_scoped3A : memref<!tpu.dma_semaphore, #tpu.memory_space<semaphore_mem>>) src(%arg9 : memref<128x48xf32, #tpu.memory_space<vmem>>) dst(%dma_wait3A_65 : memref<128x48xf32, #tpu.memory_space<vmem_shared>>)
      tpu.yield
    }) : () -> ()
    %add3A_16 = arith.constant 512 : i32
    %add3A_17 = arith.addi %mul3A_7, %add3A_16 : i32
    "tpu.region"() ({
      %run_scoped3A = tpu.sem_alloc : memref<!tpu.dma_semaphore, #tpu.memory_space<semaphore_mem>>
      %dma_start3A_59 = arith.constant 0 : i32
      %dma_start3A_60 = arith.constant 0 : i32
      %dma_start3A_61 = tpu.memref_slice %arg9[%dma_start3A_59, %dma_start3A_60] : memref<128x48xf32, #tpu.memory_space<vmem>> -> memref<120x48xf32, #tpu.memory_space<vmem>>
      %dma_start3A_62 = arith.constant 0 : i32
      %dma_start3A_63 = tpu.memref_slice %arg13[%add3A_17, %dma_start3A_62] : memref<10112x48xf32, #tpu.memory_space<vmem_shared>> -> memref<120x48xf32, #tpu.memory_space<vmem_shared>>
      %dma_start3A_64 = arith.constant 0 : i32
      %dma_start3A_65 = tpu.memref_slice %arg13[%add3A_17, %dma_start3A_64] : memref<10112x48xf32, #tpu.memory_space<vmem_shared>> -> memref<120x48xf32, #tpu.memory_space<vmem_shared>>
      %dma_start3A_66 = arith.constant 0 : i32
      %dma_start3A_67 = arith.constant 0 : i32
      %dma_start3A_68 = tpu.memref_slice %arg9[%dma_start3A_66, %dma_start3A_67] : memref<128x48xf32, #tpu.memory_space<vmem>> -> memref<120x48xf32, #tpu.memory_space<vmem>>
      tpu.enqueue_dma source(%dma_start3A_68 : memref<120x48xf32, #tpu.memory_space<vmem>>) target(%dma_start3A_65 : memref<120x48xf32, #tpu.memory_space<vmem_shared>>) target_semaphore(%run_scoped3A : memref<!tpu.dma_semaphore, #tpu.memory_space<semaphore_mem>>)
      %dma_wait3A = arith.constant 0 : i32
      %dma_wait3A_69 = arith.constant 0 : i32
      %dma_wait3A_70 = tpu.memref_slice %arg9[%dma_wait3A, %dma_wait3A_69] : memref<128x48xf32, #tpu.memory_space<vmem>> -> memref<120x48xf32, #tpu.memory_space<vmem>>
      %dma_wait3A_71 = arith.constant 0 : i32
      %dma_wait3A_72 = tpu.memref_slice %arg13[%add3A_17, %dma_wait3A_71] : memref<10112x48xf32, #tpu.memory_space<vmem_shared>> -> memref<120x48xf32, #tpu.memory_space<vmem_shared>>
      %dma_wait3A_73 = arith.constant 0 : i32
      %dma_wait3A_74 = tpu.memref_slice %arg13[%add3A_17, %dma_wait3A_73] : memref<10112x48xf32, #tpu.memory_space<vmem_shared>> -> memref<120x48xf32, #tpu.memory_space<vmem_shared>>
      %dma_wait3A_75 = arith.constant 0 : i32
      %dma_wait3A_76 = arith.constant 0 : i32
      %dma_wait3A_77 = tpu.memref_slice %arg9[%dma_wait3A_75, %dma_wait3A_76] : memref<128x48xf32, #tpu.memory_space<vmem>> -> memref<120x48xf32, #tpu.memory_space<vmem>>
      tpu.wait_dma2 semaphore(%run_scoped3A : memref<!tpu.dma_semaphore, #tpu.memory_space<semaphore_mem>>) src(%dma_wait3A_77 : memref<120x48xf32, #tpu.memory_space<vmem>>) dst(%dma_wait3A_74 : memref<120x48xf32, #tpu.memory_space<vmem_shared>>)
      tpu.yield
    }) : () -> ()
    %barrier3A = arith.constant 0 : index
    tpu.barrier barrier_id(%barrier3A)
    "tpu.region"() ({
      %run_scoped3A = tpu.sem_alloc : memref<!tpu.dma_semaphore, #tpu.memory_space<semaphore_mem>>
      %dma_start3A_59 = arith.constant 0 : i32
      %dma_start3A_60 = arith.constant 0 : i32
      %dma_start3A_61 = tpu.memref_slice %arg3[%add3A, %dma_start3A_59, %dma_start3A_60] : memref<32x80x128xi32, #tpu.memory_space<hbm>> -> memref<1x80x128xi32, #tpu.memory_space<hbm>>
      %dma_start3A_62 = tpu.memref_squeeze %dma_start3A_61 : memref<1x80x128xi32, #tpu.memory_space<hbm>> -> memref<80x128xi32, #tpu.memory_space<hbm>>
      %dma_start3A_63 = arith.constant 0 : i32
      %dma_start3A_64 = arith.constant 0 : i32
      %dma_start3A_65 = tpu.memref_slice %arg3[%add3A, %dma_start3A_63, %dma_start3A_64] : memref<32x80x128xi32, #tpu.memory_space<hbm>> -> memref<1x80x128xi32, #tpu.memory_space<hbm>>
      %dma_start3A_66 = tpu.memref_squeeze %dma_start3A_65 : memref<1x80x128xi32, #tpu.memory_space<hbm>> -> memref<80x128xi32, #tpu.memory_space<hbm>>
      tpu.enqueue_dma source(%dma_start3A_66 : memref<80x128xi32, #tpu.memory_space<hbm>>) target(%arg7 : memref<80x128xi32, #tpu.memory_space<vmem>>) target_semaphore(%run_scoped3A : memref<!tpu.dma_semaphore, #tpu.memory_space<semaphore_mem>>)
      %dma_wait3A = arith.constant 0 : i32
      %dma_wait3A_67 = arith.constant 0 : i32
      %dma_wait3A_68 = tpu.memref_slice %arg3[%add3A, %dma_wait3A, %dma_wait3A_67] : memref<32x80x128xi32, #tpu.memory_space<hbm>> -> memref<1x80x128xi32, #tpu.memory_space<hbm>>
      %dma_wait3A_69 = tpu.memref_squeeze %dma_wait3A_68 : memref<1x80x128xi32, #tpu.memory_space<hbm>> -> memref<80x128xi32, #tpu.memory_space<hbm>>
      %dma_wait3A_70 = arith.constant 0 : i32
      %dma_wait3A_71 = arith.constant 0 : i32
      %dma_wait3A_72 = tpu.memref_slice %arg3[%add3A, %dma_wait3A_70, %dma_wait3A_71] : memref<32x80x128xi32, #tpu.memory_space<hbm>> -> memref<1x80x128xi32, #tpu.memory_space<hbm>>
      %dma_wait3A_73 = tpu.memref_squeeze %dma_wait3A_72 : memref<1x80x128xi32, #tpu.memory_space<hbm>> -> memref<80x128xi32, #tpu.memory_space<hbm>>
      tpu.wait_dma2 semaphore(%run_scoped3A : memref<!tpu.dma_semaphore, #tpu.memory_space<semaphore_mem>>) src(%dma_wait3A_73 : memref<80x128xi32, #tpu.memory_space<hbm>>) dst(%arg7 : memref<80x128xi32, #tpu.memory_space<vmem>>)
      tpu.yield
    }) : () -> ()
    "tpu.region"() ({
      %run_scoped3A = tpu.sem_alloc : memref<!tpu.dma_semaphore, #tpu.memory_space<semaphore_mem>>
      %dma_start3A_59 = arith.constant 0 : i32
      %dma_start3A_60 = arith.constant 0 : i32
      %dma_start3A_61 = tpu.memref_slice %arg4[%add3A, %dma_start3A_59, %dma_start3A_60] : memref<32x80x128xi32, #tpu.memory_space<hbm>> -> memref<1x80x128xi32, #tpu.memory_space<hbm>>
      %dma_start3A_62 = tpu.memref_squeeze %dma_start3A_61 : memref<1x80x128xi32, #tpu.memory_space<hbm>> -> memref<80x128xi32, #tpu.memory_space<hbm>>
      %dma_start3A_63 = arith.constant 0 : i32
      %dma_start3A_64 = arith.constant 0 : i32
      %dma_start3A_65 = tpu.memref_slice %arg4[%add3A, %dma_start3A_63, %dma_start3A_64] : memref<32x80x128xi32, #tpu.memory_space<hbm>> -> memref<1x80x128xi32, #tpu.memory_space<hbm>>
      %dma_start3A_66 = tpu.memref_squeeze %dma_start3A_65 : memref<1x80x128xi32, #tpu.memory_space<hbm>> -> memref<80x128xi32, #tpu.memory_space<hbm>>
      tpu.enqueue_dma source(%dma_start3A_66 : memref<80x128xi32, #tpu.memory_space<hbm>>) target(%arg8 : memref<80x128xi32, #tpu.memory_space<vmem>>) target_semaphore(%run_scoped3A : memref<!tpu.dma_semaphore, #tpu.memory_space<semaphore_mem>>)
      %dma_wait3A = arith.constant 0 : i32
      %dma_wait3A_67 = arith.constant 0 : i32
      %dma_wait3A_68 = tpu.memref_slice %arg4[%add3A, %dma_wait3A, %dma_wait3A_67] : memref<32x80x128xi32, #tpu.memory_space<hbm>> -> memref<1x80x128xi32, #tpu.memory_space<hbm>>
      %dma_wait3A_69 = tpu.memref_squeeze %dma_wait3A_68 : memref<1x80x128xi32, #tpu.memory_space<hbm>> -> memref<80x128xi32, #tpu.memory_space<hbm>>
      %dma_wait3A_70 = arith.constant 0 : i32
      %dma_wait3A_71 = arith.constant 0 : i32
      %dma_wait3A_72 = tpu.memref_slice %arg4[%add3A, %dma_wait3A_70, %dma_wait3A_71] : memref<32x80x128xi32, #tpu.memory_space<hbm>> -> memref<1x80x128xi32, #tpu.memory_space<hbm>>
      %dma_wait3A_73 = tpu.memref_squeeze %dma_wait3A_72 : memref<1x80x128xi32, #tpu.memory_space<hbm>> -> memref<80x128xi32, #tpu.memory_space<hbm>>
      tpu.wait_dma2 semaphore(%run_scoped3A : memref<!tpu.dma_semaphore, #tpu.memory_space<semaphore_mem>>) src(%dma_wait3A_73 : memref<80x128xi32, #tpu.memory_space<hbm>>) dst(%arg8 : memref<80x128xi32, #tpu.memory_space<vmem>>)
      tpu.yield
    }) : () -> ()
    %dma_start3A = arith.constant 0 : i32
    %dma_start3A_18 = arith.constant 0 : i32
    %dma_start3A_19 = tpu.memref_slice %arg8[%dma_start3A, %dma_start3A_18] : memref<80x128xi32, #tpu.memory_space<vmem>> -> memref<1x128xi32, #tpu.memory_space<vmem>>
    %dma_start3A_20 = tpu.memref_squeeze %dma_start3A_19 : memref<1x128xi32, #tpu.memory_space<vmem>> -> memref<128xi32, #tpu.memory_space<vmem>>
    %dma_start3A_21 = arith.constant 0 : i32
    %dma_start3A_22 = arith.constant 0 : i32
    %dma_start3A_23 = tpu.memref_slice %arg2[%dma_start3A_21, %dma_start3A_22] : memref<10000x48xf32, #tpu.memory_space<hbm>> -> memref<10000x48xf32, #tpu.memory_space<hbm>>
    tpu.enqueue_indirect_dma source(%dma_start3A_23 : memref<10000x48xf32, #tpu.memory_space<hbm>>) target(%arg9 : memref<128x48xf32, #tpu.memory_space<vmem>>) offsets(%dma_start3A_20 : memref<128xi32, #tpu.memory_space<vmem>>) semaphore(%arg14 : memref<!tpu.dma_semaphore, #tpu.memory_space<semaphore_mem>>)
    %dma_start3A_24 = arith.constant 1 : i32
    %dma_start3A_25 = arith.constant 0 : i32
    %dma_start3A_26 = tpu.memref_slice %arg8[%dma_start3A_24, %dma_start3A_25] : memref<80x128xi32, #tpu.memory_space<vmem>> -> memref<1x128xi32, #tpu.memory_space<vmem>>
    %dma_start3A_27 = tpu.memref_squeeze %dma_start3A_26 : memref<1x128xi32, #tpu.memory_space<vmem>> -> memref<128xi32, #tpu.memory_space<vmem>>
    %dma_start3A_28 = arith.constant 0 : i32
    %dma_start3A_29 = arith.constant 0 : i32
    %dma_start3A_30 = tpu.memref_slice %arg2[%dma_start3A_28, %dma_start3A_29] : memref<10000x48xf32, #tpu.memory_space<hbm>> -> memref<10000x48xf32, #tpu.memory_space<hbm>>
    tpu.enqueue_indirect_dma source(%dma_start3A_30 : memref<10000x48xf32, #tpu.memory_space<hbm>>) target(%arg10 : memref<128x48xf32, #tpu.memory_space<vmem>>) offsets(%dma_start3A_27 : memref<128xi32, #tpu.memory_space<vmem>>) semaphore(%arg15 : memref<!tpu.dma_semaphore, #tpu.memory_space<semaphore_mem>>)
    %dma_start3A_31 = arith.constant 2 : i32
    %dma_start3A_32 = arith.constant 0 : i32
    %dma_start3A_33 = tpu.memref_slice %arg8[%dma_start3A_31, %dma_start3A_32] : memref<80x128xi32, #tpu.memory_space<vmem>> -> memref<1x128xi32, #tpu.memory_space<vmem>>
    %dma_start3A_34 = tpu.memref_squeeze %dma_start3A_33 : memref<1x128xi32, #tpu.memory_space<vmem>> -> memref<128xi32, #tpu.memory_space<vmem>>
    %dma_start3A_35 = arith.constant 0 : i32
    %dma_start3A_36 = arith.constant 0 : i32
    %dma_start3A_37 = tpu.memref_slice %arg2[%dma_start3A_35, %dma_start3A_36] : memref<10000x48xf32, #tpu.memory_space<hbm>> -> memref<10000x48xf32, #tpu.memory_space<hbm>>
    tpu.enqueue_indirect_dma source(%dma_start3A_37 : memref<10000x48xf32, #tpu.memory_space<hbm>>) target(%arg11 : memref<128x48xf32, #tpu.memory_space<vmem>>) offsets(%dma_start3A_34 : memref<128xi32, #tpu.memory_space<vmem>>) semaphore(%arg16 : memref<!tpu.dma_semaphore, #tpu.memory_space<semaphore_mem>>)
    %dma_start3A_38 = arith.constant 3 : i32
    %dma_start3A_39 = arith.constant 0 : i32
    %dma_start3A_40 = tpu.memref_slice %arg8[%dma_start3A_38, %dma_start3A_39] : memref<80x128xi32, #tpu.memory_space<vmem>> -> memref<1x128xi32, #tpu.memory_space<vmem>>
    %dma_start3A_41 = tpu.memref_squeeze %dma_start3A_40 : memref<1x128xi32, #tpu.memory_space<vmem>> -> memref<128xi32, #tpu.memory_space<vmem>>
    %dma_start3A_42 = arith.constant 0 : i32
    %dma_start3A_43 = arith.constant 0 : i32
    %dma_start3A_44 = tpu.memref_slice %arg2[%dma_start3A_42, %dma_start3A_43] : memref<10000x48xf32, #tpu.memory_space<hbm>> -> memref<10000x48xf32, #tpu.memory_space<hbm>>
    tpu.enqueue_indirect_dma source(%dma_start3A_44 : memref<10000x48xf32, #tpu.memory_space<hbm>>) target(%arg12 : memref<128x48xf32, #tpu.memory_space<vmem>>) offsets(%dma_start3A_41 : memref<128xi32, #tpu.memory_space<vmem>>) semaphore(%arg17 : memref<!tpu.dma_semaphore, #tpu.memory_space<semaphore_mem>>)
    %scan3A_45 = arith.constant 0 : i32
    %scan3A_46 = arith.constant 0 : i32
    %scan3A_47 = arith.constant 20 : i32
    %scan3A_48 = arith.addi %scan3A_46, %scan3A_47 : i32
    %scan3A_49 = arith.constant 1 : i32
    scf.for %scan3A_59 = %scan3A_46 to %scan3A_48 step %scan3A_49  : i32 {
      %mul3A_60 = arith.constant 4 : i32
      %mul3A_61 = arith.muli %scan3A_59, %mul3A_60 : i32
      %add3A_62 = arith.constant 0 : i32
      %add3A_63 = arith.addi %mul3A_61, %add3A_62 : i32
      %dma_wait3A = arith.constant 0 : i32
      %dma_wait3A_64 = tpu.memref_slice %arg8[%add3A_63, %dma_wait3A] : memref<80x128xi32, #tpu.memory_space<vmem>> -> memref<1x128xi32, #tpu.memory_space<vmem>>
      %dma_wait3A_65 = tpu.memref_squeeze %dma_wait3A_64 : memref<1x128xi32, #tpu.memory_space<vmem>> -> memref<128xi32, #tpu.memory_space<vmem>>
      %dma_wait3A_66 = arith.constant 0 : i32
      %dma_wait3A_67 = arith.constant 0 : i32
      %dma_wait3A_68 = tpu.memref_slice %arg2[%dma_wait3A_66, %dma_wait3A_67] : memref<10000x48xf32, #tpu.memory_space<hbm>> -> memref<10000x48xf32, #tpu.memory_space<hbm>>
      tpu.wait_indirect_dma semaphore(%arg14 : memref<!tpu.dma_semaphore, #tpu.memory_space<semaphore_mem>>) src(%dma_wait3A_68 : memref<10000x48xf32, #tpu.memory_space<hbm>>) dst(%arg9 : memref<128x48xf32, #tpu.memory_space<vmem>>)
      "tpu.region"() ({
        %run_scoped3A = tpu.sem_alloc : memref<!tpu.dma_semaphore, #tpu.memory_space<semaphore_mem>>
        %dma_start3A_126 = arith.constant 0 : i32
        %dma_start3A_127 = tpu.memref_slice %arg7[%add3A_63, %dma_start3A_126] : memref<80x128xi32, #tpu.memory_space<vmem>> -> memref<1x128xi32, #tpu.memory_space<vmem>>
        %dma_start3A_128 = tpu.memref_squeeze %dma_start3A_127 : memref<1x128xi32, #tpu.memory_space<vmem>> -> memref<128xi32, #tpu.memory_space<vmem>>
        %dma_start3A_129 = arith.constant 0 : i32
        %dma_start3A_130 = arith.constant 0 : i32
        %dma_start3A_131 = tpu.memref_slice %arg13[%dma_start3A_129, %dma_start3A_130] : memref<10112x48xf32, #tpu.memory_space<vmem_shared>> -> memref<10112x48xf32, #tpu.memory_space<vmem_shared>>
        tpu.enqueue_indirect_dma source(%arg9 : memref<128x48xf32, #tpu.memory_space<vmem>>) target(%dma_start3A_131 : memref<10112x48xf32, #tpu.memory_space<vmem_shared>>) offsets(%dma_start3A_128 : memref<128xi32, #tpu.memory_space<vmem>>) semaphore(%run_scoped3A : memref<!tpu.dma_semaphore, #tpu.memory_space<semaphore_mem>>) {add = true}
        %dma_wait3A_132 = arith.constant 0 : i32
        %dma_wait3A_133 = tpu.memref_slice %arg7[%add3A_63, %dma_wait3A_132] : memref<80x128xi32, #tpu.memory_space<vmem>> -> memref<1x128xi32, #tpu.memory_space<vmem>>
        %dma_wait3A_134 = tpu.memref_squeeze %dma_wait3A_133 : memref<1x128xi32, #tpu.memory_space<vmem>> -> memref<128xi32, #tpu.memory_space<vmem>>
        %dma_wait3A_135 = arith.constant 0 : i32
        %dma_wait3A_136 = arith.constant 0 : i32
        %dma_wait3A_137 = tpu.memref_slice %arg13[%dma_wait3A_135, %dma_wait3A_136] : memref<10112x48xf32, #tpu.memory_space<vmem_shared>> -> memref<10112x48xf32, #tpu.memory_space<vmem_shared>>
        tpu.wait_indirect_dma semaphore(%run_scoped3A : memref<!tpu.dma_semaphore, #tpu.memory_space<semaphore_mem>>) src(%arg9 : memref<128x48xf32, #tpu.memory_space<vmem>>) dst(%dma_wait3A_137 : memref<10112x48xf32, #tpu.memory_space<vmem_shared>>)
        tpu.yield
      }) : () -> ()
      %add3A_69 = arith.constant 4 : i32
      %add3A_70 = arith.addi %add3A_63, %add3A_69 : i32
      %lt3A = arith.constant 80 : i32
      %lt3A_71 = arith.cmpi slt, %add3A_70, %lt3A : i32
      %convert_element_type3A_72 = arith.extui %lt3A_71 : i1 to i32
      %cond3A_73 = arith.constant 0 : i32
      %cond3A_74 = arith.cmpi ne, %convert_element_type3A_72, %cond3A_73 : i32
      scf.if %cond3A_74 {
        %add3A_126 = arith.constant 4 : i32
        %add3A_127 = arith.addi %add3A_63, %add3A_126 : i32
        %dma_start3A_128 = arith.constant 0 : i32
        %dma_start3A_129 = tpu.memref_slice %arg8[%add3A_127, %dma_start3A_128] : memref<80x128xi32, #tpu.memory_space<vmem>> -> memref<1x128xi32, #tpu.memory_space<vmem>>
        %dma_start3A_130 = tpu.memref_squeeze %dma_start3A_129 : memref<1x128xi32, #tpu.memory_space<vmem>> -> memref<128xi32, #tpu.memory_space<vmem>>
        %dma_start3A_131 = arith.constant 0 : i32
        %dma_start3A_132 = arith.constant 0 : i32
        %dma_start3A_133 = tpu.memref_slice %arg2[%dma_start3A_131, %dma_start3A_132] : memref<10000x48xf32, #tpu.memory_space<hbm>> -> memref<10000x48xf32, #tpu.memory_space<hbm>>
        tpu.enqueue_indirect_dma source(%dma_start3A_133 : memref<10000x48xf32, #tpu.memory_space<hbm>>) target(%arg9 : memref<128x48xf32, #tpu.memory_space<vmem>>) offsets(%dma_start3A_130 : memref<128xi32, #tpu.memory_space<vmem>>) semaphore(%arg14 : memref<!tpu.dma_semaphore, #tpu.memory_space<semaphore_mem>>)
      } else {
      }
      %mul3A_75 = arith.constant 4 : i32
      %mul3A_76 = arith.muli %scan3A_59, %mul3A_75 : i32
      %add3A_77 = arith.constant 1 : i32
      %add3A_78 = arith.addi %mul3A_76, %add3A_77 : i32
      %dma_wait3A_79 = arith.constant 0 : i32
      %dma_wait3A_80 = tpu.memref_slice %arg8[%add3A_78, %dma_wait3A_79] : memref<80x128xi32, #tpu.memory_space<vmem>> -> memref<1x128xi32, #tpu.memory_space<vmem>>
      %dma_wait3A_81 = tpu.memref_squeeze %dma_wait3A_80 : memref<1x128xi32, #tpu.memory_space<vmem>> -> memref<128xi32, #tpu.memory_space<vmem>>
      %dma_wait3A_82 = arith.constant 0 : i32
      %dma_wait3A_83 = arith.constant 0 : i32
      %dma_wait3A_84 = tpu.memref_slice %arg2[%dma_wait3A_82, %dma_wait3A_83] : memref<10000x48xf32, #tpu.memory_space<hbm>> -> memref<10000x48xf32, #tpu.memory_space<hbm>>
      tpu.wait_indirect_dma semaphore(%arg15 : memref<!tpu.dma_semaphore, #tpu.memory_space<semaphore_mem>>) src(%dma_wait3A_84 : memref<10000x48xf32, #tpu.memory_space<hbm>>) dst(%arg10 : memref<128x48xf32, #tpu.memory_space<vmem>>)
      "tpu.region"() ({
        %run_scoped3A = tpu.sem_alloc : memref<!tpu.dma_semaphore, #tpu.memory_space<semaphore_mem>>
        %dma_start3A_126 = arith.constant 0 : i32
        %dma_start3A_127 = tpu.memref_slice %arg7[%add3A_78, %dma_start3A_126] : memref<80x128xi32, #tpu.memory_space<vmem>> -> memref<1x128xi32, #tpu.memory_space<vmem>>
        %dma_start3A_128 = tpu.memref_squeeze %dma_start3A_127 : memref<1x128xi32, #tpu.memory_space<vmem>> -> memref<128xi32, #tpu.memory_space<vmem>>
        %dma_start3A_129 = arith.constant 0 : i32
        %dma_start3A_130 = arith.constant 0 : i32
        %dma_start3A_131 = tpu.memref_slice %arg13[%dma_start3A_129, %dma_start3A_130] : memref<10112x48xf32, #tpu.memory_space<vmem_shared>> -> memref<10112x48xf32, #tpu.memory_space<vmem_shared>>
        tpu.enqueue_indirect_dma source(%arg10 : memref<128x48xf32, #tpu.memory_space<vmem>>) target(%dma_start3A_131 : memref<10112x48xf32, #tpu.memory_space<vmem_shared>>) offsets(%dma_start3A_128 : memref<128xi32, #tpu.memory_space<vmem>>) semaphore(%run_scoped3A : memref<!tpu.dma_semaphore, #tpu.memory_space<semaphore_mem>>) {add = true}
        %dma_wait3A_132 = arith.constant 0 : i32
        %dma_wait3A_133 = tpu.memref_slice %arg7[%add3A_78, %dma_wait3A_132] : memref<80x128xi32, #tpu.memory_space<vmem>> -> memref<1x128xi32, #tpu.memory_space<vmem>>
        %dma_wait3A_134 = tpu.memref_squeeze %dma_wait3A_133 : memref<1x128xi32, #tpu.memory_space<vmem>> -> memref<128xi32, #tpu.memory_space<vmem>>
        %dma_wait3A_135 = arith.constant 0 : i32
        %dma_wait3A_136 = arith.constant 0 : i32
        %dma_wait3A_137 = tpu.memref_slice %arg13[%dma_wait3A_135, %dma_wait3A_136] : memref<10112x48xf32, #tpu.memory_space<vmem_shared>> -> memref<10112x48xf32, #tpu.memory_space<vmem_shared>>
        tpu.wait_indirect_dma semaphore(%run_scoped3A : memref<!tpu.dma_semaphore, #tpu.memory_space<semaphore_mem>>) src(%arg10 : memref<128x48xf32, #tpu.memory_space<vmem>>) dst(%dma_wait3A_137 : memref<10112x48xf32, #tpu.memory_space<vmem_shared>>)
        tpu.yield
      }) : () -> ()
      %add3A_85 = arith.constant 4 : i32
      %add3A_86 = arith.addi %add3A_78, %add3A_85 : i32
      %lt3A_87 = arith.constant 80 : i32
      %lt3A_88 = arith.cmpi slt, %add3A_86, %lt3A_87 : i32
      %convert_element_type3A_89 = arith.extui %lt3A_88 : i1 to i32
      %cond3A_90 = arith.constant 0 : i32
      %cond3A_91 = arith.cmpi ne, %convert_element_type3A_89, %cond3A_90 : i32
      scf.if %cond3A_91 {
        %add3A_126 = arith.constant 4 : i32
        %add3A_127 = arith.addi %add3A_78, %add3A_126 : i32
        %dma_start3A_128 = arith.constant 0 : i32
        %dma_start3A_129 = tpu.memref_slice %arg8[%add3A_127, %dma_start3A_128] : memref<80x128xi32, #tpu.memory_space<vmem>> -> memref<1x128xi32, #tpu.memory_space<vmem>>
        %dma_start3A_130 = tpu.memref_squeeze %dma_start3A_129 : memref<1x128xi32, #tpu.memory_space<vmem>> -> memref<128xi32, #tpu.memory_space<vmem>>
        %dma_start3A_131 = arith.constant 0 : i32
        %dma_start3A_132 = arith.constant 0 : i32
        %dma_start3A_133 = tpu.memref_slice %arg2[%dma_start3A_131, %dma_start3A_132] : memref<10000x48xf32, #tpu.memory_space<hbm>> -> memref<10000x48xf32, #tpu.memory_space<hbm>>
        tpu.enqueue_indirect_dma source(%dma_start3A_133 : memref<10000x48xf32, #tpu.memory_space<hbm>>) target(%arg10 : memref<128x48xf32, #tpu.memory_space<vmem>>) offsets(%dma_start3A_130 : memref<128xi32, #tpu.memory_space<vmem>>) semaphore(%arg15 : memref<!tpu.dma_semaphore, #tpu.memory_space<semaphore_mem>>)
      } else {
      }
      %mul3A_92 = arith.constant 4 : i32
      %mul3A_93 = arith.muli %scan3A_59, %mul3A_92 : i32
      %add3A_94 = arith.constant 2 : i32
      %add3A_95 = arith.addi %mul3A_93, %add3A_94 : i32
      %dma_wait3A_96 = arith.constant 0 : i32
      %dma_wait3A_97 = tpu.memref_slice %arg8[%add3A_95, %dma_wait3A_96] : memref<80x128xi32, #tpu.memory_space<vmem>> -> memref<1x128xi32, #tpu.memory_space<vmem>>
      %dma_wait3A_98 = tpu.memref_squeeze %dma_wait3A_97 : memref<1x128xi32, #tpu.memory_space<vmem>> -> memref<128xi32, #tpu.memory_space<vmem>>
      %dma_wait3A_99 = arith.constant 0 : i32
      %dma_wait3A_100 = arith.constant 0 : i32
      %dma_wait3A_101 = tpu.memref_slice %arg2[%dma_wait3A_99, %dma_wait3A_100] : memref<10000x48xf32, #tpu.memory_space<hbm>> -> memref<10000x48xf32, #tpu.memory_space<hbm>>
      tpu.wait_indirect_dma semaphore(%arg16 : memref<!tpu.dma_semaphore, #tpu.memory_space<semaphore_mem>>) src(%dma_wait3A_101 : memref<10000x48xf32, #tpu.memory_space<hbm>>) dst(%arg11 : memref<128x48xf32, #tpu.memory_space<vmem>>)
      "tpu.region"() ({
        %run_scoped3A = tpu.sem_alloc : memref<!tpu.dma_semaphore, #tpu.memory_space<semaphore_mem>>
        %dma_start3A_126 = arith.constant 0 : i32
        %dma_start3A_127 = tpu.memref_slice %arg7[%add3A_95, %dma_start3A_126] : memref<80x128xi32, #tpu.memory_space<vmem>> -> memref<1x128xi32, #tpu.memory_space<vmem>>
        %dma_start3A_128 = tpu.memref_squeeze %dma_start3A_127 : memref<1x128xi32, #tpu.memory_space<vmem>> -> memref<128xi32, #tpu.memory_space<vmem>>
        %dma_start3A_129 = arith.constant 0 : i32
        %dma_start3A_130 = arith.constant 0 : i32
        %dma_start3A_131 = tpu.memref_slice %arg13[%dma_start3A_129, %dma_start3A_130] : memref<10112x48xf32, #tpu.memory_space<vmem_shared>> -> memref<10112x48xf32, #tpu.memory_space<vmem_shared>>
        tpu.enqueue_indirect_dma source(%arg11 : memref<128x48xf32, #tpu.memory_space<vmem>>) target(%dma_start3A_131 : memref<10112x48xf32, #tpu.memory_space<vmem_shared>>) offsets(%dma_start3A_128 : memref<128xi32, #tpu.memory_space<vmem>>) semaphore(%run_scoped3A : memref<!tpu.dma_semaphore, #tpu.memory_space<semaphore_mem>>) {add = true}
        %dma_wait3A_132 = arith.constant 0 : i32
        %dma_wait3A_133 = tpu.memref_slice %arg7[%add3A_95, %dma_wait3A_132] : memref<80x128xi32, #tpu.memory_space<vmem>> -> memref<1x128xi32, #tpu.memory_space<vmem>>
        %dma_wait3A_134 = tpu.memref_squeeze %dma_wait3A_133 : memref<1x128xi32, #tpu.memory_space<vmem>> -> memref<128xi32, #tpu.memory_space<vmem>>
        %dma_wait3A_135 = arith.constant 0 : i32
        %dma_wait3A_136 = arith.constant 0 : i32
        %dma_wait3A_137 = tpu.memref_slice %arg13[%dma_wait3A_135, %dma_wait3A_136] : memref<10112x48xf32, #tpu.memory_space<vmem_shared>> -> memref<10112x48xf32, #tpu.memory_space<vmem_shared>>
        tpu.wait_indirect_dma semaphore(%run_scoped3A : memref<!tpu.dma_semaphore, #tpu.memory_space<semaphore_mem>>) src(%arg11 : memref<128x48xf32, #tpu.memory_space<vmem>>) dst(%dma_wait3A_137 : memref<10112x48xf32, #tpu.memory_space<vmem_shared>>)
        tpu.yield
      }) : () -> ()
      %add3A_102 = arith.constant 4 : i32
      %add3A_103 = arith.addi %add3A_95, %add3A_102 : i32
      %lt3A_104 = arith.constant 80 : i32
      %lt3A_105 = arith.cmpi slt, %add3A_103, %lt3A_104 : i32
      %convert_element_type3A_106 = arith.extui %lt3A_105 : i1 to i32
      %cond3A_107 = arith.constant 0 : i32
      %cond3A_108 = arith.cmpi ne, %convert_element_type3A_106, %cond3A_107 : i32
      scf.if %cond3A_108 {
        %add3A_126 = arith.constant 4 : i32
        %add3A_127 = arith.addi %add3A_95, %add3A_126 : i32
        %dma_start3A_128 = arith.constant 0 : i32
        %dma_start3A_129 = tpu.memref_slice %arg8[%add3A_127, %dma_start3A_128] : memref<80x128xi32, #tpu.memory_space<vmem>> -> memref<1x128xi32, #tpu.memory_space<vmem>>
        %dma_start3A_130 = tpu.memref_squeeze %dma_start3A_129 : memref<1x128xi32, #tpu.memory_space<vmem>> -> memref<128xi32, #tpu.memory_space<vmem>>
        %dma_start3A_131 = arith.constant 0 : i32
        %dma_start3A_132 = arith.constant 0 : i32
        %dma_start3A_133 = tpu.memref_slice %arg2[%dma_start3A_131, %dma_start3A_132] : memref<10000x48xf32, #tpu.memory_space<hbm>> -> memref<10000x48xf32, #tpu.memory_space<hbm>>
        tpu.enqueue_indirect_dma source(%dma_start3A_133 : memref<10000x48xf32, #tpu.memory_space<hbm>>) target(%arg11 : memref<128x48xf32, #tpu.memory_space<vmem>>) offsets(%dma_start3A_130 : memref<128xi32, #tpu.memory_space<vmem>>) semaphore(%arg16 : memref<!tpu.dma_semaphore, #tpu.memory_space<semaphore_mem>>)
      } else {
      }
      %mul3A_109 = arith.constant 4 : i32
      %mul3A_110 = arith.muli %scan3A_59, %mul3A_109 : i32
      %add3A_111 = arith.constant 3 : i32
      %add3A_112 = arith.addi %mul3A_110, %add3A_111 : i32
      %dma_wait3A_113 = arith.constant 0 : i32
      %dma_wait3A_114 = tpu.memref_slice %arg8[%add3A_112, %dma_wait3A_113] : memref<80x128xi32, #tpu.memory_space<vmem>> -> memref<1x128xi32, #tpu.memory_space<vmem>>
      %dma_wait3A_115 = tpu.memref_squeeze %dma_wait3A_114 : memref<1x128xi32, #tpu.memory_space<vmem>> -> memref<128xi32, #tpu.memory_space<vmem>>
      %dma_wait3A_116 = arith.constant 0 : i32
      %dma_wait3A_117 = arith.constant 0 : i32
      %dma_wait3A_118 = tpu.memref_slice %arg2[%dma_wait3A_116, %dma_wait3A_117] : memref<10000x48xf32, #tpu.memory_space<hbm>> -> memref<10000x48xf32, #tpu.memory_space<hbm>>
      tpu.wait_indirect_dma semaphore(%arg17 : memref<!tpu.dma_semaphore, #tpu.memory_space<semaphore_mem>>) src(%dma_wait3A_118 : memref<10000x48xf32, #tpu.memory_space<hbm>>) dst(%arg12 : memref<128x48xf32, #tpu.memory_space<vmem>>)
      "tpu.region"() ({
        %run_scoped3A = tpu.sem_alloc : memref<!tpu.dma_semaphore, #tpu.memory_space<semaphore_mem>>
        %dma_start3A_126 = arith.constant 0 : i32
        %dma_start3A_127 = tpu.memref_slice %arg7[%add3A_112, %dma_start3A_126] : memref<80x128xi32, #tpu.memory_space<vmem>> -> memref<1x128xi32, #tpu.memory_space<vmem>>
        %dma_start3A_128 = tpu.memref_squeeze %dma_start3A_127 : memref<1x128xi32, #tpu.memory_space<vmem>> -> memref<128xi32, #tpu.memory_space<vmem>>
        %dma_start3A_129 = arith.constant 0 : i32
        %dma_start3A_130 = arith.constant 0 : i32
        %dma_start3A_131 = tpu.memref_slice %arg13[%dma_start3A_129, %dma_start3A_130] : memref<10112x48xf32, #tpu.memory_space<vmem_shared>> -> memref<10112x48xf32, #tpu.memory_space<vmem_shared>>
        tpu.enqueue_indirect_dma source(%arg12 : memref<128x48xf32, #tpu.memory_space<vmem>>) target(%dma_start3A_131 : memref<10112x48xf32, #tpu.memory_space<vmem_shared>>) offsets(%dma_start3A_128 : memref<128xi32, #tpu.memory_space<vmem>>) semaphore(%run_scoped3A : memref<!tpu.dma_semaphore, #tpu.memory_space<semaphore_mem>>) {add = true}
        %dma_wait3A_132 = arith.constant 0 : i32
        %dma_wait3A_133 = tpu.memref_slice %arg7[%add3A_112, %dma_wait3A_132] : memref<80x128xi32, #tpu.memory_space<vmem>> -> memref<1x128xi32, #tpu.memory_space<vmem>>
        %dma_wait3A_134 = tpu.memref_squeeze %dma_wait3A_133 : memref<1x128xi32, #tpu.memory_space<vmem>> -> memref<128xi32, #tpu.memory_space<vmem>>
        %dma_wait3A_135 = arith.constant 0 : i32
        %dma_wait3A_136 = arith.constant 0 : i32
        %dma_wait3A_137 = tpu.memref_slice %arg13[%dma_wait3A_135, %dma_wait3A_136] : memref<10112x48xf32, #tpu.memory_space<vmem_shared>> -> memref<10112x48xf32, #tpu.memory_space<vmem_shared>>
        tpu.wait_indirect_dma semaphore(%run_scoped3A : memref<!tpu.dma_semaphore, #tpu.memory_space<semaphore_mem>>) src(%arg12 : memref<128x48xf32, #tpu.memory_space<vmem>>) dst(%dma_wait3A_137 : memref<10112x48xf32, #tpu.memory_space<vmem_shared>>)
        tpu.yield
      }) : () -> ()
      %add3A_119 = arith.constant 4 : i32
      %add3A_120 = arith.addi %add3A_112, %add3A_119 : i32
      %lt3A_121 = arith.constant 80 : i32
      %lt3A_122 = arith.cmpi slt, %add3A_120, %lt3A_121 : i32
      %convert_element_type3A_123 = arith.extui %lt3A_122 : i1 to i32
      %cond3A_124 = arith.constant 0 : i32
      %cond3A_125 = arith.cmpi ne, %convert_element_type3A_123, %cond3A_124 : i32
      scf.if %cond3A_125 {
        %add3A_126 = arith.constant 4 : i32
        %add3A_127 = arith.addi %add3A_112, %add3A_126 : i32
        %dma_start3A_128 = arith.constant 0 : i32
        %dma_start3A_129 = tpu.memref_slice %arg8[%add3A_127, %dma_start3A_128] : memref<80x128xi32, #tpu.memory_space<vmem>> -> memref<1x128xi32, #tpu.memory_space<vmem>>
        %dma_start3A_130 = tpu.memref_squeeze %dma_start3A_129 : memref<1x128xi32, #tpu.memory_space<vmem>> -> memref<128xi32, #tpu.memory_space<vmem>>
        %dma_start3A_131 = arith.constant 0 : i32
        %dma_start3A_132 = arith.constant 0 : i32
        %dma_start3A_133 = tpu.memref_slice %arg2[%dma_start3A_131, %dma_start3A_132] : memref<10000x48xf32, #tpu.memory_space<hbm>> -> memref<10000x48xf32, #tpu.memory_space<hbm>>
        tpu.enqueue_indirect_dma source(%dma_start3A_133 : memref<10000x48xf32, #tpu.memory_space<hbm>>) target(%arg12 : memref<128x48xf32, #tpu.memory_space<vmem>>) offsets(%dma_start3A_130 : memref<128xi32, #tpu.memory_space<vmem>>) semaphore(%arg17 : memref<!tpu.dma_semaphore, #tpu.memory_space<semaphore_mem>>)
      } else {
      }
    }
    %scan3A_50 = arith.constant 20 : i32
    %barrier3A_51 = arith.constant 0 : index
    tpu.barrier barrier_id(%barrier3A_51)
    %eq3A = arith.constant 0 : i32
    %eq3A_52 = arith.cmpi eq, %arg0, %eq3A : i32
    %convert_element_type3A = arith.extui %eq3A_52 : i1 to i32
    %cond3A = arith.constant 0 : i32
    %cond3A_53 = arith.cmpi ne, %convert_element_type3A, %cond3A : i32
    scf.if %cond3A_53 {
      %lt3A = arith.constant 15 : i32
      %lt3A_59 = arith.cmpi slt, %arg1, %lt3A : i32
      %convert_element_type3A_60 = arith.extui %lt3A_59 : i1 to i32
      %cond3A_61 = arith.constant 0 : i32
      %cond3A_62 = arith.cmpi ne, %convert_element_type3A_60, %cond3A_61 : i32
      scf.if %cond3A_62 {
        %mul3A_68 = arith.constant 632 : i32
        %mul3A_69 = arith.muli %arg1, %mul3A_68 : i32
        "tpu.region"() ({
          %run_scoped3A = tpu.sem_alloc : memref<!tpu.dma_semaphore, #tpu.memory_space<semaphore_mem>>
          %dma_start3A_70 = arith.constant 0 : i32
          %dma_start3A_71 = tpu.memref_slice %arg5[%mul3A_69, %dma_start3A_70] : memref<10000x48xf32, #tpu.memory_space<hbm>> -> memref<632x48xf32, #tpu.memory_space<hbm>>
          %dma_start3A_72 = arith.constant 0 : i32
          %dma_start3A_73 = tpu.memref_slice %arg13[%mul3A_69, %dma_start3A_72] : memref<10112x48xf32, #tpu.memory_space<vmem_shared>> -> memref<632x48xf32, #tpu.memory_space<vmem_shared>>
          tpu.enqueue_dma source(%dma_start3A_73 : memref<632x48xf32, #tpu.memory_space<vmem_shared>>) target(%dma_start3A_71 : memref<632x48xf32, #tpu.memory_space<hbm>>) target_semaphore(%run_scoped3A : memref<!tpu.dma_semaphore, #tpu.memory_space<semaphore_mem>>)
          %dma_wait3A = arith.constant 0 : i32
          %dma_wait3A_74 = tpu.memref_slice %arg5[%mul3A_69, %dma_wait3A] : memref<10000x48xf32, #tpu.memory_space<hbm>> -> memref<632x48xf32, #tpu.memory_space<hbm>>
          %dma_wait3A_75 = arith.constant 0 : i32
          %dma_wait3A_76 = tpu.memref_slice %arg13[%mul3A_69, %dma_wait3A_75] : memref<10112x48xf32, #tpu.memory_space<vmem_shared>> -> memref<632x48xf32, #tpu.memory_space<vmem_shared>>
          tpu.wait_dma2 semaphore(%run_scoped3A : memref<!tpu.dma_semaphore, #tpu.memory_space<semaphore_mem>>) src(%dma_wait3A_76 : memref<632x48xf32, #tpu.memory_space<vmem_shared>>) dst(%dma_wait3A_74 : memref<632x48xf32, #tpu.memory_space<hbm>>)
          tpu.yield
        }) : () -> ()
      } else {
      }
      %eq3A_63 = arith.constant 15 : i32
      %eq3A_64 = arith.cmpi eq, %arg1, %eq3A_63 : i32
      %convert_element_type3A_65 = arith.extui %eq3A_64 : i1 to i32
      %cond3A_66 = arith.constant 0 : i32
      %cond3A_67 = arith.cmpi ne, %convert_element_type3A_65, %cond3A_66 : i32
      scf.if %cond3A_67 {
        "tpu.region"() ({
          %run_scoped3A = tpu.sem_alloc : memref<!tpu.dma_semaphore, #tpu.memory_space<semaphore_mem>>
          %dma_start3A_68 = arith.constant 9480 : i32
          %dma_start3A_69 = arith.constant 0 : i32
          %dma_start3A_70 = tpu.memref_slice %arg5[%dma_start3A_68, %dma_start3A_69] : memref<10000x48xf32, #tpu.memory_space<hbm>> -> memref<520x48xf32, #tpu.memory_space<hbm>>
          %dma_start3A_71 = arith.constant 9480 : i32
          %dma_start3A_72 = arith.constant 0 : i32
          %dma_start3A_73 = tpu.memref_slice %arg13[%dma_start3A_71, %dma_start3A_72] : memref<10112x48xf32, #tpu.memory_space<vmem_shared>> -> memref<520x48xf32, #tpu.memory_space<vmem_shared>>
          tpu.enqueue_dma source(%dma_start3A_73 : memref<520x48xf32, #tpu.memory_space<vmem_shared>>) target(%dma_start3A_70 : memref<520x48xf32, #tpu.memory_space<hbm>>) target_semaphore(%run_scoped3A : memref<!tpu.dma_semaphore, #tpu.memory_space<semaphore_mem>>)
          %dma_wait3A = arith.constant 9480 : i32
          %dma_wait3A_74 = arith.constant 0 : i32
          %dma_wait3A_75 = tpu.memref_slice %arg5[%dma_wait3A, %dma_wait3A_74] : memref<10000x48xf32, #tpu.memory_space<hbm>> -> memref<520x48xf32, #tpu.memory_space<hbm>>
          %dma_wait3A_76 = arith.constant 9480 : i32
          %dma_wait3A_77 = arith.constant 0 : i32
          %dma_wait3A_78 = tpu.memref_slice %arg13[%dma_wait3A_76, %dma_wait3A_77] : memref<10112x48xf32, #tpu.memory_space<vmem_shared>> -> memref<520x48xf32, #tpu.memory_space<vmem_shared>>
          tpu.wait_dma2 semaphore(%run_scoped3A : memref<!tpu.dma_semaphore, #tpu.memory_space<semaphore_mem>>) src(%dma_wait3A_78 : memref<520x48xf32, #tpu.memory_space<vmem_shared>>) dst(%dma_wait3A_75 : memref<520x48xf32, #tpu.memory_space<hbm>>)
          tpu.yield
        }) : () -> ()
      } else {
      }
    } else {
    }
    %eq3A_54 = arith.constant 1 : i32
    %eq3A_55 = arith.cmpi eq, %arg0, %eq3A_54 : i32
    %convert_element_type3A_56 = arith.extui %eq3A_55 : i1 to i32
    %cond3A_57 = arith.constant 0 : i32
    %cond3A_58 = arith.cmpi ne, %convert_element_type3A_56, %cond3A_57 : i32
    scf.if %cond3A_58 {
      %lt3A = arith.constant 15 : i32
      %lt3A_59 = arith.cmpi slt, %arg1, %lt3A : i32
      %convert_element_type3A_60 = arith.extui %lt3A_59 : i1 to i32
      %cond3A_61 = arith.constant 0 : i32
      %cond3A_62 = arith.cmpi ne, %convert_element_type3A_60, %cond3A_61 : i32
      scf.if %cond3A_62 {
        %mul3A_68 = arith.constant 632 : i32
        %mul3A_69 = arith.muli %arg1, %mul3A_68 : i32
        "tpu.region"() ({
          %run_scoped3A = tpu.sem_alloc : memref<!tpu.dma_semaphore, #tpu.memory_space<semaphore_mem>>
          %dma_start3A_70 = arith.constant 0 : i32
          %dma_start3A_71 = tpu.memref_slice %arg6[%mul3A_69, %dma_start3A_70] : memref<10000x48xf32, #tpu.memory_space<hbm>> -> memref<632x48xf32, #tpu.memory_space<hbm>>
          %dma_start3A_72 = arith.constant 0 : i32
          %dma_start3A_73 = tpu.memref_slice %arg13[%mul3A_69, %dma_start3A_72] : memref<10112x48xf32, #tpu.memory_space<vmem_shared>> -> memref<632x48xf32, #tpu.memory_space<vmem_shared>>
          tpu.enqueue_dma source(%dma_start3A_73 : memref<632x48xf32, #tpu.memory_space<vmem_shared>>) target(%dma_start3A_71 : memref<632x48xf32, #tpu.memory_space<hbm>>) target_semaphore(%run_scoped3A : memref<!tpu.dma_semaphore, #tpu.memory_space<semaphore_mem>>)
          %dma_wait3A = arith.constant 0 : i32
          %dma_wait3A_74 = tpu.memref_slice %arg6[%mul3A_69, %dma_wait3A] : memref<10000x48xf32, #tpu.memory_space<hbm>> -> memref<632x48xf32, #tpu.memory_space<hbm>>
          %dma_wait3A_75 = arith.constant 0 : i32
          %dma_wait3A_76 = tpu.memref_slice %arg13[%mul3A_69, %dma_wait3A_75] : memref<10112x48xf32, #tpu.memory_space<vmem_shared>> -> memref<632x48xf32, #tpu.memory_space<vmem_shared>>
          tpu.wait_dma2 semaphore(%run_scoped3A : memref<!tpu.dma_semaphore, #tpu.memory_space<semaphore_mem>>) src(%dma_wait3A_76 : memref<632x48xf32, #tpu.memory_space<vmem_shared>>) dst(%dma_wait3A_74 : memref<632x48xf32, #tpu.memory_space<hbm>>)
          tpu.yield
        }) : () -> ()
      } else {
      }
      %eq3A_63 = arith.constant 15 : i32
      %eq3A_64 = arith.cmpi eq, %arg1, %eq3A_63 : i32
      %convert_element_type3A_65 = arith.extui %eq3A_64 : i1 to i32
      %cond3A_66 = arith.constant 0 : i32
      %cond3A_67 = arith.cmpi ne, %convert_element_type3A_65, %cond3A_66 : i32
      scf.if %cond3A_67 {
        "tpu.region"() ({
          %run_scoped3A = tpu.sem_alloc : memref<!tpu.dma_semaphore, #tpu.memory_space<semaphore_mem>>
          %dma_start3A_68 = arith.constant 9480 : i32
          %dma_start3A_69 = arith.constant 0 : i32
          %dma_start3A_70 = tpu.memref_slice %arg6[%dma_start3A_68, %dma_start3A_69] : memref<10000x48xf32, #tpu.memory_space<hbm>> -> memref<520x48xf32, #tpu.memory_space<hbm>>
          %dma_start3A_71 = arith.constant 9480 : i32
          %dma_start3A_72 = arith.constant 0 : i32
          %dma_start3A_73 = tpu.memref_slice %arg13[%dma_start3A_71, %dma_start3A_72] : memref<10112x48xf32, #tpu.memory_space<vmem_shared>> -> memref<520x48xf32, #tpu.memory_space<vmem_shared>>
          tpu.enqueue_dma source(%dma_start3A_73 : memref<520x48xf32, #tpu.memory_space<vmem_shared>>) target(%dma_start3A_70 : memref<520x48xf32, #tpu.memory_space<hbm>>) target_semaphore(%run_scoped3A : memref<!tpu.dma_semaphore, #tpu.memory_space<semaphore_mem>>)
          %dma_wait3A = arith.constant 9480 : i32
          %dma_wait3A_74 = arith.constant 0 : i32
          %dma_wait3A_75 = tpu.memref_slice %arg6[%dma_wait3A, %dma_wait3A_74] : memref<10000x48xf32, #tpu.memory_space<hbm>> -> memref<520x48xf32, #tpu.memory_space<hbm>>
          %dma_wait3A_76 = arith.constant 9480 : i32
          %dma_wait3A_77 = arith.constant 0 : i32
          %dma_wait3A_78 = tpu.memref_slice %arg13[%dma_wait3A_76, %dma_wait3A_77] : memref<10112x48xf32, #tpu.memory_space<vmem_shared>> -> memref<520x48xf32, #tpu.memory_space<vmem_shared>>
          tpu.wait_dma2 semaphore(%run_scoped3A : memref<!tpu.dma_semaphore, #tpu.memory_space<semaphore_mem>>) src(%dma_wait3A_78 : memref<520x48xf32, #tpu.memory_space<vmem_shared>>) dst(%dma_wait3A_75 : memref<520x48xf32, #tpu.memory_space<hbm>>)
          tpu.yield
        }) : () -> ()
      } else {
      }
    } else {
    }
    return
  }
}

#map = affine_map<(d0, d1) -> (0, 0)>
#map1 = affine_map<(d0, d1) -> (0, 0, 0)>
module attributes {stable_mosaic.version = 14 : i64} {
  func.func @sc_a(%arg0: i32, %arg1: i32, %arg2: memref<10000x80xf32, #tpu.memory_space<hbm>>, %arg3: memref<10000x80xf32, #tpu.memory_space<hbm>>, %arg4: memref<16x160x128xi32, #tpu.memory_space<hbm>>, %arg5: memref<16x160x128xi32, #tpu.memory_space<hbm>>, %arg6: memref<10000x80xf32, #tpu.memory_space<hbm>>, %arg7: memref<10000x80xf32, #tpu.memory_space<hbm>>, %arg8: memref<160x128xi32, #tpu.memory_space<vmem>>, %arg9: memref<160x128xi32, #tpu.memory_space<vmem>>, %arg10: memref<128x80xf32, #tpu.memory_space<vmem>>, %arg11: memref<128x80xf32, #tpu.memory_space<vmem>>, %arg12: memref<10112x80xf32, #tpu.memory_space<vmem_shared>>, %arg13: memref<!tpu.dma_semaphore, #tpu.memory_space<semaphore_mem>>, %arg14: memref<!tpu.dma_semaphore, #tpu.memory_space<semaphore_mem>>) attributes {dimension_semantics = [#tpu.dimension_semantics<core_parallel>, #tpu.dimension_semantics<subcore_parallel>], iteration_bounds = array<i64: 2, 16>, scalar_prefetch = 0 : i64, scratch_operands = 7 : i64, tpu.core_type = #tpu.core_type<sc_vector_subcore>, window_params = [{transform_indices = #map}, {transform_indices = #map}, {transform_indices = #map1}, {transform_indices = #map1}, {transform_indices = #map}, {transform_indices = #map}]} {
    %scan3A = arith.constant 0 : i32
    %scan3A_0 = arith.constant 0 : i32
    %scan3A_1 = arith.constant 128 : i32
    %scan3A_2 = arith.addi %scan3A_0, %scan3A_1 : i32
    %scan3A_3 = arith.constant 1 : i32
    scf.for %scan3A_33 = %scan3A_0 to %scan3A_2 step %scan3A_3  : i32 {
      %scan3A_34 = arith.constant 0 : i32
      %scan3A_35 = arith.constant 5 : i32
      %scan3A_36 = arith.addi %scan3A_34, %scan3A_35 : i32
      %scan3A_37 = arith.constant 1 : i32
      scf.for %scan3A_39 = %scan3A_34 to %scan3A_36 step %scan3A_37  : i32 {
        %broadcast_in_dim3A = arith.constant 0.000000e+00 : f32
        %broadcast_in_dim3A_40 = vector.broadcast %broadcast_in_dim3A : f32 to vector<16xf32>
        %mul3A_41 = arith.constant 16 : i32
        %mul3A_42 = arith.muli %scan3A_39, %mul3A_41 : i32
        %swap3A = arith.index_cast %scan3A_33 : i32 to index
        %swap3A_43 = arith.index_cast %mul3A_42 : i32 to index
        %swap3A_44 = tpu.vector_load %arg10[%swap3A, %swap3A_43] {strides = array<i32>} : memref<128x80xf32, #tpu.memory_space<vmem>>, vector<1x16xf32>,
        %swap3A_45 = vector.shape_cast %swap3A_44 : vector<1x16xf32> to vector<16xf32>
        %swap3A_46 = vector.shape_cast %broadcast_in_dim3A_40 : vector<16xf32> to vector<1x16xf32>
        tpu.vector_store %arg10[%swap3A, %swap3A_43], %swap3A_46 {strides = array<i32>} : memref<128x80xf32, #tpu.memory_space<vmem>>, vector<1x16xf32>,
      }
      %scan3A_38 = arith.constant 5 : i32
    }
    %scan3A_4 = arith.constant 128 : i32
    %mul3A = arith.constant 632 : i32
    %mul3A_5 = arith.muli %arg1, %mul3A : i32
    %add3A = arith.constant 0 : i32
    %add3A_6 = arith.addi %mul3A_5, %add3A : i32
    "tpu.region"() ({
      %run_scoped3A = tpu.sem_alloc : memref<!tpu.dma_semaphore, #tpu.memory_space<semaphore_mem>>
      %dma_start3A = arith.constant 0 : i32
      %dma_start3A_33 = tpu.memref_slice %arg12[%add3A_6, %dma_start3A] : memref<10112x80xf32, #tpu.memory_space<vmem_shared>> -> memref<128x80xf32, #tpu.memory_space<vmem_shared>>
      %dma_start3A_34 = arith.constant 0 : i32
      %dma_start3A_35 = tpu.memref_slice %arg12[%add3A_6, %dma_start3A_34] : memref<10112x80xf32, #tpu.memory_space<vmem_shared>> -> memref<128x80xf32, #tpu.memory_space<vmem_shared>>
      tpu.enqueue_dma source(%arg10 : memref<128x80xf32, #tpu.memory_space<vmem>>) target(%dma_start3A_35 : memref<128x80xf32, #tpu.memory_space<vmem_shared>>) target_semaphore(%run_scoped3A : memref<!tpu.dma_semaphore, #tpu.memory_space<semaphore_mem>>)
      %dma_wait3A = arith.constant 0 : i32
      %dma_wait3A_36 = tpu.memref_slice %arg12[%add3A_6, %dma_wait3A] : memref<10112x80xf32, #tpu.memory_space<vmem_shared>> -> memref<128x80xf32, #tpu.memory_space<vmem_shared>>
      %dma_wait3A_37 = arith.constant 0 : i32
      %dma_wait3A_38 = tpu.memref_slice %arg12[%add3A_6, %dma_wait3A_37] : memref<10112x80xf32, #tpu.memory_space<vmem_shared>> -> memref<128x80xf32, #tpu.memory_space<vmem_shared>>
      tpu.wait_dma2 semaphore(%run_scoped3A : memref<!tpu.dma_semaphore, #tpu.memory_space<semaphore_mem>>) src(%arg10 : memref<128x80xf32, #tpu.memory_space<vmem>>) dst(%dma_wait3A_38 : memref<128x80xf32, #tpu.memory_space<vmem_shared>>)
      tpu.yield
    }) : () -> ()
    %add3A_7 = arith.constant 128 : i32
    %add3A_8 = arith.addi %mul3A_5, %add3A_7 : i32
    "tpu.region"() ({
      %run_scoped3A = tpu.sem_alloc : memref<!tpu.dma_semaphore, #tpu.memory_space<semaphore_mem>>
      %dma_start3A = arith.constant 0 : i32
      %dma_start3A_33 = tpu.memref_slice %arg12[%add3A_8, %dma_start3A] : memref<10112x80xf32, #tpu.memory_space<vmem_shared>> -> memref<128x80xf32, #tpu.memory_space<vmem_shared>>
      %dma_start3A_34 = arith.constant 0 : i32
      %dma_start3A_35 = tpu.memref_slice %arg12[%add3A_8, %dma_start3A_34] : memref<10112x80xf32, #tpu.memory_space<vmem_shared>> -> memref<128x80xf32, #tpu.memory_space<vmem_shared>>
      tpu.enqueue_dma source(%arg10 : memref<128x80xf32, #tpu.memory_space<vmem>>) target(%dma_start3A_35 : memref<128x80xf32, #tpu.memory_space<vmem_shared>>) target_semaphore(%run_scoped3A : memref<!tpu.dma_semaphore, #tpu.memory_space<semaphore_mem>>)
      %dma_wait3A = arith.constant 0 : i32
      %dma_wait3A_36 = tpu.memref_slice %arg12[%add3A_8, %dma_wait3A] : memref<10112x80xf32, #tpu.memory_space<vmem_shared>> -> memref<128x80xf32, #tpu.memory_space<vmem_shared>>
      %dma_wait3A_37 = arith.constant 0 : i32
      %dma_wait3A_38 = tpu.memref_slice %arg12[%add3A_8, %dma_wait3A_37] : memref<10112x80xf32, #tpu.memory_space<vmem_shared>> -> memref<128x80xf32, #tpu.memory_space<vmem_shared>>
      tpu.wait_dma2 semaphore(%run_scoped3A : memref<!tpu.dma_semaphore, #tpu.memory_space<semaphore_mem>>) src(%arg10 : memref<128x80xf32, #tpu.memory_space<vmem>>) dst(%dma_wait3A_38 : memref<128x80xf32, #tpu.memory_space<vmem_shared>>)
      tpu.yield
    }) : () -> ()
    %add3A_9 = arith.constant 256 : i32
    %add3A_10 = arith.addi %mul3A_5, %add3A_9 : i32
    "tpu.region"() ({
      %run_scoped3A = tpu.sem_alloc : memref<!tpu.dma_semaphore, #tpu.memory_space<semaphore_mem>>
      %dma_start3A = arith.constant 0 : i32
      %dma_start3A_33 = tpu.memref_slice %arg12[%add3A_10, %dma_start3A] : memref<10112x80xf32, #tpu.memory_space<vmem_shared>> -> memref<128x80xf32, #tpu.memory_space<vmem_shared>>
      %dma_start3A_34 = arith.constant 0 : i32
      %dma_start3A_35 = tpu.memref_slice %arg12[%add3A_10, %dma_start3A_34] : memref<10112x80xf32, #tpu.memory_space<vmem_shared>> -> memref<128x80xf32, #tpu.memory_space<vmem_shared>>
      tpu.enqueue_dma source(%arg10 : memref<128x80xf32, #tpu.memory_space<vmem>>) target(%dma_start3A_35 : memref<128x80xf32, #tpu.memory_space<vmem_shared>>) target_semaphore(%run_scoped3A : memref<!tpu.dma_semaphore, #tpu.memory_space<semaphore_mem>>)
      %dma_wait3A = arith.constant 0 : i32
      %dma_wait3A_36 = tpu.memref_slice %arg12[%add3A_10, %dma_wait3A] : memref<10112x80xf32, #tpu.memory_space<vmem_shared>> -> memref<128x80xf32, #tpu.memory_space<vmem_shared>>
      %dma_wait3A_37 = arith.constant 0 : i32
      %dma_wait3A_38 = tpu.memref_slice %arg12[%add3A_10, %dma_wait3A_37] : memref<10112x80xf32, #tpu.memory_space<vmem_shared>> -> memref<128x80xf32, #tpu.memory_space<vmem_shared>>
      tpu.wait_dma2 semaphore(%run_scoped3A : memref<!tpu.dma_semaphore, #tpu.memory_space<semaphore_mem>>) src(%arg10 : memref<128x80xf32, #tpu.memory_space<vmem>>) dst(%dma_wait3A_38 : memref<128x80xf32, #tpu.memory_space<vmem_shared>>)
      tpu.yield
    }) : () -> ()
    %add3A_11 = arith.constant 384 : i32
    %add3A_12 = arith.addi %mul3A_5, %add3A_11 : i32
    "tpu.region"() ({
      %run_scoped3A = tpu.sem_alloc : memref<!tpu.dma_semaphore, #tpu.memory_space<semaphore_mem>>
      %dma_start3A = arith.constant 0 : i32
      %dma_start3A_33 = tpu.memref_slice %arg12[%add3A_12, %dma_start3A] : memref<10112x80xf32, #tpu.memory_space<vmem_shared>> -> memref<128x80xf32, #tpu.memory_space<vmem_shared>>
      %dma_start3A_34 = arith.constant 0 : i32
      %dma_start3A_35 = tpu.memref_slice %arg12[%add3A_12, %dma_start3A_34] : memref<10112x80xf32, #tpu.memory_space<vmem_shared>> -> memref<128x80xf32, #tpu.memory_space<vmem_shared>>
      tpu.enqueue_dma source(%arg10 : memref<128x80xf32, #tpu.memory_space<vmem>>) target(%dma_start3A_35 : memref<128x80xf32, #tpu.memory_space<vmem_shared>>) target_semaphore(%run_scoped3A : memref<!tpu.dma_semaphore, #tpu.memory_space<semaphore_mem>>)
      %dma_wait3A = arith.constant 0 : i32
      %dma_wait3A_36 = tpu.memref_slice %arg12[%add3A_12, %dma_wait3A] : memref<10112x80xf32, #tpu.memory_space<vmem_shared>> -> memref<128x80xf32, #tpu.memory_space<vmem_shared>>
      %dma_wait3A_37 = arith.constant 0 : i32
      %dma_wait3A_38 = tpu.memref_slice %arg12[%add3A_12, %dma_wait3A_37] : memref<10112x80xf32, #tpu.memory_space<vmem_shared>> -> memref<128x80xf32, #tpu.memory_space<vmem_shared>>
      tpu.wait_dma2 semaphore(%run_scoped3A : memref<!tpu.dma_semaphore, #tpu.memory_space<semaphore_mem>>) src(%arg10 : memref<128x80xf32, #tpu.memory_space<vmem>>) dst(%dma_wait3A_38 : memref<128x80xf32, #tpu.memory_space<vmem_shared>>)
      tpu.yield
    }) : () -> ()
    %add3A_13 = arith.constant 512 : i32
    %add3A_14 = arith.addi %mul3A_5, %add3A_13 : i32
    "tpu.region"() ({
      %run_scoped3A = tpu.sem_alloc : memref<!tpu.dma_semaphore, #tpu.memory_space<semaphore_mem>>
      %dma_start3A = arith.constant 0 : i32
      %dma_start3A_33 = arith.constant 0 : i32
      %dma_start3A_34 = tpu.memref_slice %arg10[%dma_start3A, %dma_start3A_33] : memref<128x80xf32, #tpu.memory_space<vmem>> -> memref<120x80xf32, #tpu.memory_space<vmem>>
      %dma_start3A_35 = arith.constant 0 : i32
      %dma_start3A_36 = tpu.memref_slice %arg12[%add3A_14, %dma_start3A_35] : memref<10112x80xf32, #tpu.memory_space<vmem_shared>> -> memref<120x80xf32, #tpu.memory_space<vmem_shared>>
      %dma_start3A_37 = arith.constant 0 : i32
      %dma_start3A_38 = tpu.memref_slice %arg12[%add3A_14, %dma_start3A_37] : memref<10112x80xf32, #tpu.memory_space<vmem_shared>> -> memref<120x80xf32, #tpu.memory_space<vmem_shared>>
      %dma_start3A_39 = arith.constant 0 : i32
      %dma_start3A_40 = arith.constant 0 : i32
      %dma_start3A_41 = tpu.memref_slice %arg10[%dma_start3A_39, %dma_start3A_40] : memref<128x80xf32, #tpu.memory_space<vmem>> -> memref<120x80xf32, #tpu.memory_space<vmem>>
      tpu.enqueue_dma source(%dma_start3A_41 : memref<120x80xf32, #tpu.memory_space<vmem>>) target(%dma_start3A_38 : memref<120x80xf32, #tpu.memory_space<vmem_shared>>) target_semaphore(%run_scoped3A : memref<!tpu.dma_semaphore, #tpu.memory_space<semaphore_mem>>)
      %dma_wait3A = arith.constant 0 : i32
      %dma_wait3A_42 = arith.constant 0 : i32
      %dma_wait3A_43 = tpu.memref_slice %arg10[%dma_wait3A, %dma_wait3A_42] : memref<128x80xf32, #tpu.memory_space<vmem>> -> memref<120x80xf32, #tpu.memory_space<vmem>>
      %dma_wait3A_44 = arith.constant 0 : i32
      %dma_wait3A_45 = tpu.memref_slice %arg12[%add3A_14, %dma_wait3A_44] : memref<10112x80xf32, #tpu.memory_space<vmem_shared>> -> memref<120x80xf32, #tpu.memory_space<vmem_shared>>
      %dma_wait3A_46 = arith.constant 0 : i32
      %dma_wait3A_47 = tpu.memref_slice %arg12[%add3A_14, %dma_wait3A_46] : memref<10112x80xf32, #tpu.memory_space<vmem_shared>> -> memref<120x80xf32, #tpu.memory_space<vmem_shared>>
      %dma_wait3A_48 = arith.constant 0 : i32
      %dma_wait3A_49 = arith.constant 0 : i32
      %dma_wait3A_50 = tpu.memref_slice %arg10[%dma_wait3A_48, %dma_wait3A_49] : memref<128x80xf32, #tpu.memory_space<vmem>> -> memref<120x80xf32, #tpu.memory_space<vmem>>
      tpu.wait_dma2 semaphore(%run_scoped3A : memref<!tpu.dma_semaphore, #tpu.memory_space<semaphore_mem>>) src(%dma_wait3A_50 : memref<120x80xf32, #tpu.memory_space<vmem>>) dst(%dma_wait3A_47 : memref<120x80xf32, #tpu.memory_space<vmem_shared>>)
      tpu.yield
    }) : () -> ()
    %barrier3A = arith.constant 0 : index
    tpu.barrier barrier_id(%barrier3A)
    "tpu.region"() ({
      %run_scoped3A = tpu.sem_alloc : memref<!tpu.dma_semaphore, #tpu.memory_space<semaphore_mem>>
      %dma_start3A = arith.constant 0 : i32
      %dma_start3A_33 = arith.constant 0 : i32
      %dma_start3A_34 = tpu.memref_slice %arg4[%arg1, %dma_start3A, %dma_start3A_33] : memref<16x160x128xi32, #tpu.memory_space<hbm>> -> memref<1x160x128xi32, #tpu.memory_space<hbm>>
      %dma_start3A_35 = tpu.memref_squeeze %dma_start3A_34 : memref<1x160x128xi32, #tpu.memory_space<hbm>> -> memref<160x128xi32, #tpu.memory_space<hbm>>
      %dma_start3A_36 = arith.constant 0 : i32
      %dma_start3A_37 = arith.constant 0 : i32
      %dma_start3A_38 = tpu.memref_slice %arg4[%arg1, %dma_start3A_36, %dma_start3A_37] : memref<16x160x128xi32, #tpu.memory_space<hbm>> -> memref<1x160x128xi32, #tpu.memory_space<hbm>>
      %dma_start3A_39 = tpu.memref_squeeze %dma_start3A_38 : memref<1x160x128xi32, #tpu.memory_space<hbm>> -> memref<160x128xi32, #tpu.memory_space<hbm>>
      tpu.enqueue_dma source(%dma_start3A_39 : memref<160x128xi32, #tpu.memory_space<hbm>>) target(%arg8 : memref<160x128xi32, #tpu.memory_space<vmem>>) target_semaphore(%run_scoped3A : memref<!tpu.dma_semaphore, #tpu.memory_space<semaphore_mem>>)
      %dma_wait3A = arith.constant 0 : i32
      %dma_wait3A_40 = arith.constant 0 : i32
      %dma_wait3A_41 = tpu.memref_slice %arg4[%arg1, %dma_wait3A, %dma_wait3A_40] : memref<16x160x128xi32, #tpu.memory_space<hbm>> -> memref<1x160x128xi32, #tpu.memory_space<hbm>>
      %dma_wait3A_42 = tpu.memref_squeeze %dma_wait3A_41 : memref<1x160x128xi32, #tpu.memory_space<hbm>> -> memref<160x128xi32, #tpu.memory_space<hbm>>
      %dma_wait3A_43 = arith.constant 0 : i32
      %dma_wait3A_44 = arith.constant 0 : i32
      %dma_wait3A_45 = tpu.memref_slice %arg4[%arg1, %dma_wait3A_43, %dma_wait3A_44] : memref<16x160x128xi32, #tpu.memory_space<hbm>> -> memref<1x160x128xi32, #tpu.memory_space<hbm>>
      %dma_wait3A_46 = tpu.memref_squeeze %dma_wait3A_45 : memref<1x160x128xi32, #tpu.memory_space<hbm>> -> memref<160x128xi32, #tpu.memory_space<hbm>>
      tpu.wait_dma2 semaphore(%run_scoped3A : memref<!tpu.dma_semaphore, #tpu.memory_space<semaphore_mem>>) src(%dma_wait3A_46 : memref<160x128xi32, #tpu.memory_space<hbm>>) dst(%arg8 : memref<160x128xi32, #tpu.memory_space<vmem>>)
      tpu.yield
    }) : () -> ()
    "tpu.region"() ({
      %run_scoped3A = tpu.sem_alloc : memref<!tpu.dma_semaphore, #tpu.memory_space<semaphore_mem>>
      %dma_start3A = arith.constant 0 : i32
      %dma_start3A_33 = arith.constant 0 : i32
      %dma_start3A_34 = tpu.memref_slice %arg5[%arg1, %dma_start3A, %dma_start3A_33] : memref<16x160x128xi32, #tpu.memory_space<hbm>> -> memref<1x160x128xi32, #tpu.memory_space<hbm>>
      %dma_start3A_35 = tpu.memref_squeeze %dma_start3A_34 : memref<1x160x128xi32, #tpu.memory_space<hbm>> -> memref<160x128xi32, #tpu.memory_space<hbm>>
      %dma_start3A_36 = arith.constant 0 : i32
      %dma_start3A_37 = arith.constant 0 : i32
      %dma_start3A_38 = tpu.memref_slice %arg5[%arg1, %dma_start3A_36, %dma_start3A_37] : memref<16x160x128xi32, #tpu.memory_space<hbm>> -> memref<1x160x128xi32, #tpu.memory_space<hbm>>
      %dma_start3A_39 = tpu.memref_squeeze %dma_start3A_38 : memref<1x160x128xi32, #tpu.memory_space<hbm>> -> memref<160x128xi32, #tpu.memory_space<hbm>>
      tpu.enqueue_dma source(%dma_start3A_39 : memref<160x128xi32, #tpu.memory_space<hbm>>) target(%arg9 : memref<160x128xi32, #tpu.memory_space<vmem>>) target_semaphore(%run_scoped3A : memref<!tpu.dma_semaphore, #tpu.memory_space<semaphore_mem>>)
      %dma_wait3A = arith.constant 0 : i32
      %dma_wait3A_40 = arith.constant 0 : i32
      %dma_wait3A_41 = tpu.memref_slice %arg5[%arg1, %dma_wait3A, %dma_wait3A_40] : memref<16x160x128xi32, #tpu.memory_space<hbm>> -> memref<1x160x128xi32, #tpu.memory_space<hbm>>
      %dma_wait3A_42 = tpu.memref_squeeze %dma_wait3A_41 : memref<1x160x128xi32, #tpu.memory_space<hbm>> -> memref<160x128xi32, #tpu.memory_space<hbm>>
      %dma_wait3A_43 = arith.constant 0 : i32
      %dma_wait3A_44 = arith.constant 0 : i32
      %dma_wait3A_45 = tpu.memref_slice %arg5[%arg1, %dma_wait3A_43, %dma_wait3A_44] : memref<16x160x128xi32, #tpu.memory_space<hbm>> -> memref<1x160x128xi32, #tpu.memory_space<hbm>>
      %dma_wait3A_46 = tpu.memref_squeeze %dma_wait3A_45 : memref<1x160x128xi32, #tpu.memory_space<hbm>> -> memref<160x128xi32, #tpu.memory_space<hbm>>
      tpu.wait_dma2 semaphore(%run_scoped3A : memref<!tpu.dma_semaphore, #tpu.memory_space<semaphore_mem>>) src(%dma_wait3A_46 : memref<160x128xi32, #tpu.memory_space<hbm>>) dst(%arg9 : memref<160x128xi32, #tpu.memory_space<vmem>>)
      tpu.yield
    }) : () -> ()
    %eq3A = arith.constant 0 : i32
    %eq3A_15 = arith.cmpi eq, %arg0, %eq3A : i32
    %convert_element_type3A = arith.extui %eq3A_15 : i1 to i32
    %cond3A = arith.constant 0 : i32
    %cond3A_16 = arith.cmpi ne, %convert_element_type3A, %cond3A : i32
    scf.if %cond3A_16 {
      %dma_start3A = arith.constant 0 : i32
      %dma_start3A_33 = arith.constant 0 : i32
      %dma_start3A_34 = tpu.memref_slice %arg9[%dma_start3A, %dma_start3A_33] : memref<160x128xi32, #tpu.memory_space<vmem>> -> memref<1x128xi32, #tpu.memory_space<vmem>>
      %dma_start3A_35 = tpu.memref_squeeze %dma_start3A_34 : memref<1x128xi32, #tpu.memory_space<vmem>> -> memref<128xi32, #tpu.memory_space<vmem>>
      %dma_start3A_36 = arith.constant 0 : i32
      %dma_start3A_37 = arith.constant 0 : i32
      %dma_start3A_38 = tpu.memref_slice %arg2[%dma_start3A_36, %dma_start3A_37] : memref<10000x80xf32, #tpu.memory_space<hbm>> -> memref<10000x80xf32, #tpu.memory_space<hbm>>
      tpu.enqueue_indirect_dma source(%dma_start3A_38 : memref<10000x80xf32, #tpu.memory_space<hbm>>) target(%arg10 : memref<128x80xf32, #tpu.memory_space<vmem>>) offsets(%dma_start3A_35 : memref<128xi32, #tpu.memory_space<vmem>>) semaphore(%arg13 : memref<!tpu.dma_semaphore, #tpu.memory_space<semaphore_mem>>)
      %dma_start3A_39 = arith.constant 1 : i32
      %dma_start3A_40 = arith.constant 0 : i32
      %dma_start3A_41 = tpu.memref_slice %arg9[%dma_start3A_39, %dma_start3A_40] : memref<160x128xi32, #tpu.memory_space<vmem>> -> memref<1x128xi32, #tpu.memory_space<vmem>>
      %dma_start3A_42 = tpu.memref_squeeze %dma_start3A_41 : memref<1x128xi32, #tpu.memory_space<vmem>> -> memref<128xi32, #tpu.memory_space<vmem>>
      %dma_start3A_43 = arith.constant 0 : i32
      %dma_start3A_44 = arith.constant 0 : i32
      %dma_start3A_45 = tpu.memref_slice %arg2[%dma_start3A_43, %dma_start3A_44] : memref<10000x80xf32, #tpu.memory_space<hbm>> -> memref<10000x80xf32, #tpu.memory_space<hbm>>
      tpu.enqueue_indirect_dma source(%dma_start3A_45 : memref<10000x80xf32, #tpu.memory_space<hbm>>) target(%arg11 : memref<128x80xf32, #tpu.memory_space<vmem>>) offsets(%dma_start3A_42 : memref<128xi32, #tpu.memory_space<vmem>>) semaphore(%arg14 : memref<!tpu.dma_semaphore, #tpu.memory_space<semaphore_mem>>)
      %scan3A_46 = arith.constant 0 : i32
      %scan3A_47 = arith.constant 0 : i32
      %scan3A_48 = arith.constant 80 : i32
      %scan3A_49 = arith.addi %scan3A_47, %scan3A_48 : i32
      %scan3A_50 = arith.constant 1 : i32
      scf.for %scan3A_52 = %scan3A_47 to %scan3A_49 step %scan3A_50  : i32 {
        %mul3A_53 = arith.constant 2 : i32
        %mul3A_54 = arith.muli %scan3A_52, %mul3A_53 : i32
        %add3A_55 = arith.constant 0 : i32
        %add3A_56 = arith.addi %mul3A_54, %add3A_55 : i32
        %dma_wait3A = arith.constant 0 : i32
        %dma_wait3A_57 = tpu.memref_slice %arg9[%add3A_56, %dma_wait3A] : memref<160x128xi32, #tpu.memory_space<vmem>> -> memref<1x128xi32, #tpu.memory_space<vmem>>
        %dma_wait3A_58 = tpu.memref_squeeze %dma_wait3A_57 : memref<1x128xi32, #tpu.memory_space<vmem>> -> memref<128xi32, #tpu.memory_space<vmem>>
        %dma_wait3A_59 = arith.constant 0 : i32
        %dma_wait3A_60 = arith.constant 0 : i32
        %dma_wait3A_61 = tpu.memref_slice %arg2[%dma_wait3A_59, %dma_wait3A_60] : memref<10000x80xf32, #tpu.memory_space<hbm>> -> memref<10000x80xf32, #tpu.memory_space<hbm>>
        tpu.wait_indirect_dma semaphore(%arg13 : memref<!tpu.dma_semaphore, #tpu.memory_space<semaphore_mem>>) src(%dma_wait3A_61 : memref<10000x80xf32, #tpu.memory_space<hbm>>) dst(%arg10 : memref<128x80xf32, #tpu.memory_space<vmem>>)
        "tpu.region"() ({
          %run_scoped3A = tpu.sem_alloc : memref<!tpu.dma_semaphore, #tpu.memory_space<semaphore_mem>>
          %dma_start3A_85 = arith.constant 0 : i32
          %dma_start3A_86 = tpu.memref_slice %arg8[%add3A_56, %dma_start3A_85] : memref<160x128xi32, #tpu.memory_space<vmem>> -> memref<1x128xi32, #tpu.memory_space<vmem>>
          %dma_start3A_87 = tpu.memref_squeeze %dma_start3A_86 : memref<1x128xi32, #tpu.memory_space<vmem>> -> memref<128xi32, #tpu.memory_space<vmem>>
          %dma_start3A_88 = arith.constant 0 : i32
          %dma_start3A_89 = arith.constant 0 : i32
          %dma_start3A_90 = tpu.memref_slice %arg12[%dma_start3A_88, %dma_start3A_89] : memref<10112x80xf32, #tpu.memory_space<vmem_shared>> -> memref<10112x80xf32, #tpu.memory_space<vmem_shared>>
          tpu.enqueue_indirect_dma source(%arg10 : memref<128x80xf32, #tpu.memory_space<vmem>>) target(%dma_start3A_90 : memref<10112x80xf32, #tpu.memory_space<vmem_shared>>) offsets(%dma_start3A_87 : memref<128xi32, #tpu.memory_space<vmem>>) semaphore(%run_scoped3A : memref<!tpu.dma_semaphore, #tpu.memory_space<semaphore_mem>>) {add = true}
          %dma_wait3A_91 = arith.constant 0 : i32
          %dma_wait3A_92 = tpu.memref_slice %arg8[%add3A_56, %dma_wait3A_91] : memref<160x128xi32, #tpu.memory_space<vmem>> -> memref<1x128xi32, #tpu.memory_space<vmem>>
          %dma_wait3A_93 = tpu.memref_squeeze %dma_wait3A_92 : memref<1x128xi32, #tpu.memory_space<vmem>> -> memref<128xi32, #tpu.memory_space<vmem>>
          %dma_wait3A_94 = arith.constant 0 : i32
          %dma_wait3A_95 = arith.constant 0 : i32
          %dma_wait3A_96 = tpu.memref_slice %arg12[%dma_wait3A_94, %dma_wait3A_95] : memref<10112x80xf32, #tpu.memory_space<vmem_shared>> -> memref<10112x80xf32, #tpu.memory_space<vmem_shared>>
          tpu.wait_indirect_dma semaphore(%run_scoped3A : memref<!tpu.dma_semaphore, #tpu.memory_space<semaphore_mem>>) src(%arg10 : memref<128x80xf32, #tpu.memory_space<vmem>>) dst(%dma_wait3A_96 : memref<10112x80xf32, #tpu.memory_space<vmem_shared>>)
          tpu.yield
        }) : () -> ()
        %add3A_62 = arith.constant 2 : i32
        %add3A_63 = arith.addi %add3A_56, %add3A_62 : i32
        %lt3A = arith.constant 160 : i32
        %lt3A_64 = arith.cmpi slt, %add3A_63, %lt3A : i32
        %convert_element_type3A_65 = arith.extui %lt3A_64 : i1 to i32
        %cond3A_66 = arith.constant 0 : i32
        %cond3A_67 = arith.cmpi ne, %convert_element_type3A_65, %cond3A_66 : i32
        scf.if %cond3A_67 {
          %add3A_85 = arith.constant 2 : i32
          %add3A_86 = arith.addi %add3A_56, %add3A_85 : i32
          %dma_start3A_87 = arith.constant 0 : i32
          %dma_start3A_88 = tpu.memref_slice %arg9[%add3A_86, %dma_start3A_87] : memref<160x128xi32, #tpu.memory_space<vmem>> -> memref<1x128xi32, #tpu.memory_space<vmem>>
          %dma_start3A_89 = tpu.memref_squeeze %dma_start3A_88 : memref<1x128xi32, #tpu.memory_space<vmem>> -> memref<128xi32, #tpu.memory_space<vmem>>
          %dma_start3A_90 = arith.constant 0 : i32
          %dma_start3A_91 = arith.constant 0 : i32
          %dma_start3A_92 = tpu.memref_slice %arg2[%dma_start3A_90, %dma_start3A_91] : memref<10000x80xf32, #tpu.memory_space<hbm>> -> memref<10000x80xf32, #tpu.memory_space<hbm>>
          tpu.enqueue_indirect_dma source(%dma_start3A_92 : memref<10000x80xf32, #tpu.memory_space<hbm>>) target(%arg10 : memref<128x80xf32, #tpu.memory_space<vmem>>) offsets(%dma_start3A_89 : memref<128xi32, #tpu.memory_space<vmem>>) semaphore(%arg13 : memref<!tpu.dma_semaphore, #tpu.memory_space<semaphore_mem>>)
        } else {
        }
        %mul3A_68 = arith.constant 2 : i32
        %mul3A_69 = arith.muli %scan3A_52, %mul3A_68 : i32
        %add3A_70 = arith.constant 1 : i32
        %add3A_71 = arith.addi %mul3A_69, %add3A_70 : i32
        %dma_wait3A_72 = arith.constant 0 : i32
        %dma_wait3A_73 = tpu.memref_slice %arg9[%add3A_71, %dma_wait3A_72] : memref<160x128xi32, #tpu.memory_space<vmem>> -> memref<1x128xi32, #tpu.memory_space<vmem>>
        %dma_wait3A_74 = tpu.memref_squeeze %dma_wait3A_73 : memref<1x128xi32, #tpu.memory_space<vmem>> -> memref<128xi32, #tpu.memory_space<vmem>>
        %dma_wait3A_75 = arith.constant 0 : i32
        %dma_wait3A_76 = arith.constant 0 : i32
        %dma_wait3A_77 = tpu.memref_slice %arg2[%dma_wait3A_75, %dma_wait3A_76] : memref<10000x80xf32, #tpu.memory_space<hbm>> -> memref<10000x80xf32, #tpu.memory_space<hbm>>
        tpu.wait_indirect_dma semaphore(%arg14 : memref<!tpu.dma_semaphore, #tpu.memory_space<semaphore_mem>>) src(%dma_wait3A_77 : memref<10000x80xf32, #tpu.memory_space<hbm>>) dst(%arg11 : memref<128x80xf32, #tpu.memory_space<vmem>>)
        "tpu.region"() ({
          %run_scoped3A = tpu.sem_alloc : memref<!tpu.dma_semaphore, #tpu.memory_space<semaphore_mem>>
          %dma_start3A_85 = arith.constant 0 : i32
          %dma_start3A_86 = tpu.memref_slice %arg8[%add3A_71, %dma_start3A_85] : memref<160x128xi32, #tpu.memory_space<vmem>> -> memref<1x128xi32, #tpu.memory_space<vmem>>
          %dma_start3A_87 = tpu.memref_squeeze %dma_start3A_86 : memref<1x128xi32, #tpu.memory_space<vmem>> -> memref<128xi32, #tpu.memory_space<vmem>>
          %dma_start3A_88 = arith.constant 0 : i32
          %dma_start3A_89 = arith.constant 0 : i32
          %dma_start3A_90 = tpu.memref_slice %arg12[%dma_start3A_88, %dma_start3A_89] : memref<10112x80xf32, #tpu.memory_space<vmem_shared>> -> memref<10112x80xf32, #tpu.memory_space<vmem_shared>>
          tpu.enqueue_indirect_dma source(%arg11 : memref<128x80xf32, #tpu.memory_space<vmem>>) target(%dma_start3A_90 : memref<10112x80xf32, #tpu.memory_space<vmem_shared>>) offsets(%dma_start3A_87 : memref<128xi32, #tpu.memory_space<vmem>>) semaphore(%run_scoped3A : memref<!tpu.dma_semaphore, #tpu.memory_space<semaphore_mem>>) {add = true}
          %dma_wait3A_91 = arith.constant 0 : i32
          %dma_wait3A_92 = tpu.memref_slice %arg8[%add3A_71, %dma_wait3A_91] : memref<160x128xi32, #tpu.memory_space<vmem>> -> memref<1x128xi32, #tpu.memory_space<vmem>>
          %dma_wait3A_93 = tpu.memref_squeeze %dma_wait3A_92 : memref<1x128xi32, #tpu.memory_space<vmem>> -> memref<128xi32, #tpu.memory_space<vmem>>
          %dma_wait3A_94 = arith.constant 0 : i32
          %dma_wait3A_95 = arith.constant 0 : i32
          %dma_wait3A_96 = tpu.memref_slice %arg12[%dma_wait3A_94, %dma_wait3A_95] : memref<10112x80xf32, #tpu.memory_space<vmem_shared>> -> memref<10112x80xf32, #tpu.memory_space<vmem_shared>>
          tpu.wait_indirect_dma semaphore(%run_scoped3A : memref<!tpu.dma_semaphore, #tpu.memory_space<semaphore_mem>>) src(%arg11 : memref<128x80xf32, #tpu.memory_space<vmem>>) dst(%dma_wait3A_96 : memref<10112x80xf32, #tpu.memory_space<vmem_shared>>)
          tpu.yield
        }) : () -> ()
        %add3A_78 = arith.constant 2 : i32
        %add3A_79 = arith.addi %add3A_71, %add3A_78 : i32
        %lt3A_80 = arith.constant 160 : i32
        %lt3A_81 = arith.cmpi slt, %add3A_79, %lt3A_80 : i32
        %convert_element_type3A_82 = arith.extui %lt3A_81 : i1 to i32
        %cond3A_83 = arith.constant 0 : i32
        %cond3A_84 = arith.cmpi ne, %convert_element_type3A_82, %cond3A_83 : i32
        scf.if %cond3A_84 {
          %add3A_85 = arith.constant 2 : i32
          %add3A_86 = arith.addi %add3A_71, %add3A_85 : i32
          %dma_start3A_87 = arith.constant 0 : i32
          %dma_start3A_88 = tpu.memref_slice %arg9[%add3A_86, %dma_start3A_87] : memref<160x128xi32, #tpu.memory_space<vmem>> -> memref<1x128xi32, #tpu.memory_space<vmem>>
          %dma_start3A_89 = tpu.memref_squeeze %dma_start3A_88 : memref<1x128xi32, #tpu.memory_space<vmem>> -> memref<128xi32, #tpu.memory_space<vmem>>
          %dma_start3A_90 = arith.constant 0 : i32
          %dma_start3A_91 = arith.constant 0 : i32
          %dma_start3A_92 = tpu.memref_slice %arg2[%dma_start3A_90, %dma_start3A_91] : memref<10000x80xf32, #tpu.memory_space<hbm>> -> memref<10000x80xf32, #tpu.memory_space<hbm>>
          tpu.enqueue_indirect_dma source(%dma_start3A_92 : memref<10000x80xf32, #tpu.memory_space<hbm>>) target(%arg11 : memref<128x80xf32, #tpu.memory_space<vmem>>) offsets(%dma_start3A_89 : memref<128xi32, #tpu.memory_space<vmem>>) semaphore(%arg14 : memref<!tpu.dma_semaphore, #tpu.memory_space<semaphore_mem>>)
        } else {
        }
      }
      %scan3A_51 = arith.constant 80 : i32
    } else {
    }
    %eq3A_17 = arith.constant 1 : i32
    %eq3A_18 = arith.cmpi eq, %arg0, %eq3A_17 : i32
    %convert_element_type3A_19 = arith.extui %eq3A_18 : i1 to i32
    %cond3A_20 = arith.constant 0 : i32
    %cond3A_21 = arith.cmpi ne, %convert_element_type3A_19, %cond3A_20 : i32
    scf.if %cond3A_21 {
      %dma_start3A = arith.constant 0 : i32
      %dma_start3A_33 = arith.constant 0 : i32
      %dma_start3A_34 = tpu.memref_slice %arg9[%dma_start3A, %dma_start3A_33] : memref<160x128xi32, #tpu.memory_space<vmem>> -> memref<1x128xi32, #tpu.memory_space<vmem>>
      %dma_start3A_35 = tpu.memref_squeeze %dma_start3A_34 : memref<1x128xi32, #tpu.memory_space<vmem>> -> memref<128xi32, #tpu.memory_space<vmem>>
      %dma_start3A_36 = arith.constant 0 : i32
      %dma_start3A_37 = arith.constant 0 : i32
      %dma_start3A_38 = tpu.memref_slice %arg3[%dma_start3A_36, %dma_start3A_37] : memref<10000x80xf32, #tpu.memory_space<hbm>> -> memref<10000x80xf32, #tpu.memory_space<hbm>>
      tpu.enqueue_indirect_dma source(%dma_start3A_38 : memref<10000x80xf32, #tpu.memory_space<hbm>>) target(%arg10 : memref<128x80xf32, #tpu.memory_space<vmem>>) offsets(%dma_start3A_35 : memref<128xi32, #tpu.memory_space<vmem>>) semaphore(%arg13 : memref<!tpu.dma_semaphore, #tpu.memory_space<semaphore_mem>>)
      %dma_start3A_39 = arith.constant 1 : i32
      %dma_start3A_40 = arith.constant 0 : i32
      %dma_start3A_41 = tpu.memref_slice %arg9[%dma_start3A_39, %dma_start3A_40] : memref<160x128xi32, #tpu.memory_space<vmem>> -> memref<1x128xi32, #tpu.memory_space<vmem>>
      %dma_start3A_42 = tpu.memref_squeeze %dma_start3A_41 : memref<1x128xi32, #tpu.memory_space<vmem>> -> memref<128xi32, #tpu.memory_space<vmem>>
      %dma_start3A_43 = arith.constant 0 : i32
      %dma_start3A_44 = arith.constant 0 : i32
      %dma_start3A_45 = tpu.memref_slice %arg3[%dma_start3A_43, %dma_start3A_44] : memref<10000x80xf32, #tpu.memory_space<hbm>> -> memref<10000x80xf32, #tpu.memory_space<hbm>>
      tpu.enqueue_indirect_dma source(%dma_start3A_45 : memref<10000x80xf32, #tpu.memory_space<hbm>>) target(%arg11 : memref<128x80xf32, #tpu.memory_space<vmem>>) offsets(%dma_start3A_42 : memref<128xi32, #tpu.memory_space<vmem>>) semaphore(%arg14 : memref<!tpu.dma_semaphore, #tpu.memory_space<semaphore_mem>>)
      %scan3A_46 = arith.constant 0 : i32
      %scan3A_47 = arith.constant 0 : i32
      %scan3A_48 = arith.constant 80 : i32
      %scan3A_49 = arith.addi %scan3A_47, %scan3A_48 : i32
      %scan3A_50 = arith.constant 1 : i32
      scf.for %scan3A_52 = %scan3A_47 to %scan3A_49 step %scan3A_50  : i32 {
        %mul3A_53 = arith.constant 2 : i32
        %mul3A_54 = arith.muli %scan3A_52, %mul3A_53 : i32
        %add3A_55 = arith.constant 0 : i32
        %add3A_56 = arith.addi %mul3A_54, %add3A_55 : i32
        %dma_wait3A = arith.constant 0 : i32
        %dma_wait3A_57 = tpu.memref_slice %arg9[%add3A_56, %dma_wait3A] : memref<160x128xi32, #tpu.memory_space<vmem>> -> memref<1x128xi32, #tpu.memory_space<vmem>>
        %dma_wait3A_58 = tpu.memref_squeeze %dma_wait3A_57 : memref<1x128xi32, #tpu.memory_space<vmem>> -> memref<128xi32, #tpu.memory_space<vmem>>
        %dma_wait3A_59 = arith.constant 0 : i32
        %dma_wait3A_60 = arith.constant 0 : i32
        %dma_wait3A_61 = tpu.memref_slice %arg3[%dma_wait3A_59, %dma_wait3A_60] : memref<10000x80xf32, #tpu.memory_space<hbm>> -> memref<10000x80xf32, #tpu.memory_space<hbm>>
        tpu.wait_indirect_dma semaphore(%arg13 : memref<!tpu.dma_semaphore, #tpu.memory_space<semaphore_mem>>) src(%dma_wait3A_61 : memref<10000x80xf32, #tpu.memory_space<hbm>>) dst(%arg10 : memref<128x80xf32, #tpu.memory_space<vmem>>)
        "tpu.region"() ({
          %run_scoped3A = tpu.sem_alloc : memref<!tpu.dma_semaphore, #tpu.memory_space<semaphore_mem>>
          %dma_start3A_85 = arith.constant 0 : i32
          %dma_start3A_86 = tpu.memref_slice %arg8[%add3A_56, %dma_start3A_85] : memref<160x128xi32, #tpu.memory_space<vmem>> -> memref<1x128xi32, #tpu.memory_space<vmem>>
          %dma_start3A_87 = tpu.memref_squeeze %dma_start3A_86 : memref<1x128xi32, #tpu.memory_space<vmem>> -> memref<128xi32, #tpu.memory_space<vmem>>
          %dma_start3A_88 = arith.constant 0 : i32
          %dma_start3A_89 = arith.constant 0 : i32
          %dma_start3A_90 = tpu.memref_slice %arg12[%dma_start3A_88, %dma_start3A_89] : memref<10112x80xf32, #tpu.memory_space<vmem_shared>> -> memref<10112x80xf32, #tpu.memory_space<vmem_shared>>
          tpu.enqueue_indirect_dma source(%arg10 : memref<128x80xf32, #tpu.memory_space<vmem>>) target(%dma_start3A_90 : memref<10112x80xf32, #tpu.memory_space<vmem_shared>>) offsets(%dma_start3A_87 : memref<128xi32, #tpu.memory_space<vmem>>) semaphore(%run_scoped3A : memref<!tpu.dma_semaphore, #tpu.memory_space<semaphore_mem>>) {add = true}
          %dma_wait3A_91 = arith.constant 0 : i32
          %dma_wait3A_92 = tpu.memref_slice %arg8[%add3A_56, %dma_wait3A_91] : memref<160x128xi32, #tpu.memory_space<vmem>> -> memref<1x128xi32, #tpu.memory_space<vmem>>
          %dma_wait3A_93 = tpu.memref_squeeze %dma_wait3A_92 : memref<1x128xi32, #tpu.memory_space<vmem>> -> memref<128xi32, #tpu.memory_space<vmem>>
          %dma_wait3A_94 = arith.constant 0 : i32
          %dma_wait3A_95 = arith.constant 0 : i32
          %dma_wait3A_96 = tpu.memref_slice %arg12[%dma_wait3A_94, %dma_wait3A_95] : memref<10112x80xf32, #tpu.memory_space<vmem_shared>> -> memref<10112x80xf32, #tpu.memory_space<vmem_shared>>
          tpu.wait_indirect_dma semaphore(%run_scoped3A : memref<!tpu.dma_semaphore, #tpu.memory_space<semaphore_mem>>) src(%arg10 : memref<128x80xf32, #tpu.memory_space<vmem>>) dst(%dma_wait3A_96 : memref<10112x80xf32, #tpu.memory_space<vmem_shared>>)
          tpu.yield
        }) : () -> ()
        %add3A_62 = arith.constant 2 : i32
        %add3A_63 = arith.addi %add3A_56, %add3A_62 : i32
        %lt3A = arith.constant 160 : i32
        %lt3A_64 = arith.cmpi slt, %add3A_63, %lt3A : i32
        %convert_element_type3A_65 = arith.extui %lt3A_64 : i1 to i32
        %cond3A_66 = arith.constant 0 : i32
        %cond3A_67 = arith.cmpi ne, %convert_element_type3A_65, %cond3A_66 : i32
        scf.if %cond3A_67 {
          %add3A_85 = arith.constant 2 : i32
          %add3A_86 = arith.addi %add3A_56, %add3A_85 : i32
          %dma_start3A_87 = arith.constant 0 : i32
          %dma_start3A_88 = tpu.memref_slice %arg9[%add3A_86, %dma_start3A_87] : memref<160x128xi32, #tpu.memory_space<vmem>> -> memref<1x128xi32, #tpu.memory_space<vmem>>
          %dma_start3A_89 = tpu.memref_squeeze %dma_start3A_88 : memref<1x128xi32, #tpu.memory_space<vmem>> -> memref<128xi32, #tpu.memory_space<vmem>>
          %dma_start3A_90 = arith.constant 0 : i32
          %dma_start3A_91 = arith.constant 0 : i32
          %dma_start3A_92 = tpu.memref_slice %arg3[%dma_start3A_90, %dma_start3A_91] : memref<10000x80xf32, #tpu.memory_space<hbm>> -> memref<10000x80xf32, #tpu.memory_space<hbm>>
          tpu.enqueue_indirect_dma source(%dma_start3A_92 : memref<10000x80xf32, #tpu.memory_space<hbm>>) target(%arg10 : memref<128x80xf32, #tpu.memory_space<vmem>>) offsets(%dma_start3A_89 : memref<128xi32, #tpu.memory_space<vmem>>) semaphore(%arg13 : memref<!tpu.dma_semaphore, #tpu.memory_space<semaphore_mem>>)
        } else {
        }
        %mul3A_68 = arith.constant 2 : i32
        %mul3A_69 = arith.muli %scan3A_52, %mul3A_68 : i32
        %add3A_70 = arith.constant 1 : i32
        %add3A_71 = arith.addi %mul3A_69, %add3A_70 : i32
        %dma_wait3A_72 = arith.constant 0 : i32
        %dma_wait3A_73 = tpu.memref_slice %arg9[%add3A_71, %dma_wait3A_72] : memref<160x128xi32, #tpu.memory_space<vmem>> -> memref<1x128xi32, #tpu.memory_space<vmem>>
        %dma_wait3A_74 = tpu.memref_squeeze %dma_wait3A_73 : memref<1x128xi32, #tpu.memory_space<vmem>> -> memref<128xi32, #tpu.memory_space<vmem>>
        %dma_wait3A_75 = arith.constant 0 : i32
        %dma_wait3A_76 = arith.constant 0 : i32
        %dma_wait3A_77 = tpu.memref_slice %arg3[%dma_wait3A_75, %dma_wait3A_76] : memref<10000x80xf32, #tpu.memory_space<hbm>> -> memref<10000x80xf32, #tpu.memory_space<hbm>>
        tpu.wait_indirect_dma semaphore(%arg14 : memref<!tpu.dma_semaphore, #tpu.memory_space<semaphore_mem>>) src(%dma_wait3A_77 : memref<10000x80xf32, #tpu.memory_space<hbm>>) dst(%arg11 : memref<128x80xf32, #tpu.memory_space<vmem>>)
        "tpu.region"() ({
          %run_scoped3A = tpu.sem_alloc : memref<!tpu.dma_semaphore, #tpu.memory_space<semaphore_mem>>
          %dma_start3A_85 = arith.constant 0 : i32
          %dma_start3A_86 = tpu.memref_slice %arg8[%add3A_71, %dma_start3A_85] : memref<160x128xi32, #tpu.memory_space<vmem>> -> memref<1x128xi32, #tpu.memory_space<vmem>>
          %dma_start3A_87 = tpu.memref_squeeze %dma_start3A_86 : memref<1x128xi32, #tpu.memory_space<vmem>> -> memref<128xi32, #tpu.memory_space<vmem>>
          %dma_start3A_88 = arith.constant 0 : i32
          %dma_start3A_89 = arith.constant 0 : i32
          %dma_start3A_90 = tpu.memref_slice %arg12[%dma_start3A_88, %dma_start3A_89] : memref<10112x80xf32, #tpu.memory_space<vmem_shared>> -> memref<10112x80xf32, #tpu.memory_space<vmem_shared>>
          tpu.enqueue_indirect_dma source(%arg11 : memref<128x80xf32, #tpu.memory_space<vmem>>) target(%dma_start3A_90 : memref<10112x80xf32, #tpu.memory_space<vmem_shared>>) offsets(%dma_start3A_87 : memref<128xi32, #tpu.memory_space<vmem>>) semaphore(%run_scoped3A : memref<!tpu.dma_semaphore, #tpu.memory_space<semaphore_mem>>) {add = true}
          %dma_wait3A_91 = arith.constant 0 : i32
          %dma_wait3A_92 = tpu.memref_slice %arg8[%add3A_71, %dma_wait3A_91] : memref<160x128xi32, #tpu.memory_space<vmem>> -> memref<1x128xi32, #tpu.memory_space<vmem>>
          %dma_wait3A_93 = tpu.memref_squeeze %dma_wait3A_92 : memref<1x128xi32, #tpu.memory_space<vmem>> -> memref<128xi32, #tpu.memory_space<vmem>>
          %dma_wait3A_94 = arith.constant 0 : i32
          %dma_wait3A_95 = arith.constant 0 : i32
          %dma_wait3A_96 = tpu.memref_slice %arg12[%dma_wait3A_94, %dma_wait3A_95] : memref<10112x80xf32, #tpu.memory_space<vmem_shared>> -> memref<10112x80xf32, #tpu.memory_space<vmem_shared>>
          tpu.wait_indirect_dma semaphore(%run_scoped3A : memref<!tpu.dma_semaphore, #tpu.memory_space<semaphore_mem>>) src(%arg11 : memref<128x80xf32, #tpu.memory_space<vmem>>) dst(%dma_wait3A_96 : memref<10112x80xf32, #tpu.memory_space<vmem_shared>>)
          tpu.yield
        }) : () -> ()
        %add3A_78 = arith.constant 2 : i32
        %add3A_79 = arith.addi %add3A_71, %add3A_78 : i32
        %lt3A_80 = arith.constant 160 : i32
        %lt3A_81 = arith.cmpi slt, %add3A_79, %lt3A_80 : i32
        %convert_element_type3A_82 = arith.extui %lt3A_81 : i1 to i32
        %cond3A_83 = arith.constant 0 : i32
        %cond3A_84 = arith.cmpi ne, %convert_element_type3A_82, %cond3A_83 : i32
        scf.if %cond3A_84 {
          %add3A_85 = arith.constant 2 : i32
          %add3A_86 = arith.addi %add3A_71, %add3A_85 : i32
          %dma_start3A_87 = arith.constant 0 : i32
          %dma_start3A_88 = tpu.memref_slice %arg9[%add3A_86, %dma_start3A_87] : memref<160x128xi32, #tpu.memory_space<vmem>> -> memref<1x128xi32, #tpu.memory_space<vmem>>
          %dma_start3A_89 = tpu.memref_squeeze %dma_start3A_88 : memref<1x128xi32, #tpu.memory_space<vmem>> -> memref<128xi32, #tpu.memory_space<vmem>>
          %dma_start3A_90 = arith.constant 0 : i32
          %dma_start3A_91 = arith.constant 0 : i32
          %dma_start3A_92 = tpu.memref_slice %arg3[%dma_start3A_90, %dma_start3A_91] : memref<10000x80xf32, #tpu.memory_space<hbm>> -> memref<10000x80xf32, #tpu.memory_space<hbm>>
          tpu.enqueue_indirect_dma source(%dma_start3A_92 : memref<10000x80xf32, #tpu.memory_space<hbm>>) target(%arg11 : memref<128x80xf32, #tpu.memory_space<vmem>>) offsets(%dma_start3A_89 : memref<128xi32, #tpu.memory_space<vmem>>) semaphore(%arg14 : memref<!tpu.dma_semaphore, #tpu.memory_space<semaphore_mem>>)
        } else {
        }
      }
      %scan3A_51 = arith.constant 80 : i32
    } else {
    }
    %barrier3A_22 = arith.constant 0 : index
    tpu.barrier barrier_id(%barrier3A_22)
    %eq3A_23 = arith.constant 0 : i32
    %eq3A_24 = arith.cmpi eq, %arg0, %eq3A_23 : i32
    %convert_element_type3A_25 = arith.extui %eq3A_24 : i1 to i32
    %cond3A_26 = arith.constant 0 : i32
    %cond3A_27 = arith.cmpi ne, %convert_element_type3A_25, %cond3A_26 : i32
    scf.if %cond3A_27 {
      %lt3A = arith.constant 15 : i32
      %lt3A_33 = arith.cmpi slt, %arg1, %lt3A : i32
      %convert_element_type3A_34 = arith.extui %lt3A_33 : i1 to i32
      %cond3A_35 = arith.constant 0 : i32
      %cond3A_36 = arith.cmpi ne, %convert_element_type3A_34, %cond3A_35 : i32
      scf.if %cond3A_36 {
        %mul3A_42 = arith.constant 632 : i32
        %mul3A_43 = arith.muli %arg1, %mul3A_42 : i32
        "tpu.region"() ({
          %run_scoped3A = tpu.sem_alloc : memref<!tpu.dma_semaphore, #tpu.memory_space<semaphore_mem>>
          %dma_start3A = arith.constant 0 : i32
          %dma_start3A_44 = tpu.memref_slice %arg6[%mul3A_43, %dma_start3A] : memref<10000x80xf32, #tpu.memory_space<hbm>> -> memref<632x80xf32, #tpu.memory_space<hbm>>
          %dma_start3A_45 = arith.constant 0 : i32
          %dma_start3A_46 = tpu.memref_slice %arg12[%mul3A_43, %dma_start3A_45] : memref<10112x80xf32, #tpu.memory_space<vmem_shared>> -> memref<632x80xf32, #tpu.memory_space<vmem_shared>>
          tpu.enqueue_dma source(%dma_start3A_46 : memref<632x80xf32, #tpu.memory_space<vmem_shared>>) target(%dma_start3A_44 : memref<632x80xf32, #tpu.memory_space<hbm>>) target_semaphore(%run_scoped3A : memref<!tpu.dma_semaphore, #tpu.memory_space<semaphore_mem>>)
          %dma_wait3A = arith.constant 0 : i32
          %dma_wait3A_47 = tpu.memref_slice %arg6[%mul3A_43, %dma_wait3A] : memref<10000x80xf32, #tpu.memory_space<hbm>> -> memref<632x80xf32, #tpu.memory_space<hbm>>
          %dma_wait3A_48 = arith.constant 0 : i32
          %dma_wait3A_49 = tpu.memref_slice %arg12[%mul3A_43, %dma_wait3A_48] : memref<10112x80xf32, #tpu.memory_space<vmem_shared>> -> memref<632x80xf32, #tpu.memory_space<vmem_shared>>
          tpu.wait_dma2 semaphore(%run_scoped3A : memref<!tpu.dma_semaphore, #tpu.memory_space<semaphore_mem>>) src(%dma_wait3A_49 : memref<632x80xf32, #tpu.memory_space<vmem_shared>>) dst(%dma_wait3A_47 : memref<632x80xf32, #tpu.memory_space<hbm>>)
          tpu.yield
        }) : () -> ()
      } else {
      }
      %eq3A_37 = arith.constant 15 : i32
      %eq3A_38 = arith.cmpi eq, %arg1, %eq3A_37 : i32
      %convert_element_type3A_39 = arith.extui %eq3A_38 : i1 to i32
      %cond3A_40 = arith.constant 0 : i32
      %cond3A_41 = arith.cmpi ne, %convert_element_type3A_39, %cond3A_40 : i32
      scf.if %cond3A_41 {
        "tpu.region"() ({
          %run_scoped3A = tpu.sem_alloc : memref<!tpu.dma_semaphore, #tpu.memory_space<semaphore_mem>>
          %dma_start3A = arith.constant 9480 : i32
          %dma_start3A_42 = arith.constant 0 : i32
          %dma_start3A_43 = tpu.memref_slice %arg6[%dma_start3A, %dma_start3A_42] : memref<10000x80xf32, #tpu.memory_space<hbm>> -> memref<520x80xf32, #tpu.memory_space<hbm>>
          %dma_start3A_44 = arith.constant 9480 : i32
          %dma_start3A_45 = arith.constant 0 : i32
          %dma_start3A_46 = tpu.memref_slice %arg12[%dma_start3A_44, %dma_start3A_45] : memref<10112x80xf32, #tpu.memory_space<vmem_shared>> -> memref<520x80xf32, #tpu.memory_space<vmem_shared>>
          tpu.enqueue_dma source(%dma_start3A_46 : memref<520x80xf32, #tpu.memory_space<vmem_shared>>) target(%dma_start3A_43 : memref<520x80xf32, #tpu.memory_space<hbm>>) target_semaphore(%run_scoped3A : memref<!tpu.dma_semaphore, #tpu.memory_space<semaphore_mem>>)
          %dma_wait3A = arith.constant 9480 : i32
          %dma_wait3A_47 = arith.constant 0 : i32
          %dma_wait3A_48 = tpu.memref_slice %arg6[%dma_wait3A, %dma_wait3A_47] : memref<10000x80xf32, #tpu.memory_space<hbm>> -> memref<520x80xf32, #tpu.memory_space<hbm>>
          %dma_wait3A_49 = arith.constant 9480 : i32
          %dma_wait3A_50 = arith.constant 0 : i32
          %dma_wait3A_51 = tpu.memref_slice %arg12[%dma_wait3A_49, %dma_wait3A_50] : memref<10112x80xf32, #tpu.memory_space<vmem_shared>> -> memref<520x80xf32, #tpu.memory_space<vmem_shared>>
          tpu.wait_dma2 semaphore(%run_scoped3A : memref<!tpu.dma_semaphore, #tpu.memory_space<semaphore_mem>>) src(%dma_wait3A_51 : memref<520x80xf32, #tpu.memory_space<vmem_shared>>) dst(%dma_wait3A_48 : memref<520x80xf32, #tpu.memory_space<hbm>>)
          tpu.yield
        }) : () -> ()
      } else {
      }
    } else {
    }
    %eq3A_28 = arith.constant 1 : i32
    %eq3A_29 = arith.cmpi eq, %arg0, %eq3A_28 : i32
    %convert_element_type3A_30 = arith.extui %eq3A_29 : i1 to i32
    %cond3A_31 = arith.constant 0 : i32
    %cond3A_32 = arith.cmpi ne, %convert_element_type3A_30, %cond3A_31 : i32
    scf.if %cond3A_32 {
      %lt3A = arith.constant 15 : i32
      %lt3A_33 = arith.cmpi slt, %arg1, %lt3A : i32
      %convert_element_type3A_34 = arith.extui %lt3A_33 : i1 to i32
      %cond3A_35 = arith.constant 0 : i32
      %cond3A_36 = arith.cmpi ne, %convert_element_type3A_34, %cond3A_35 : i32
      scf.if %cond3A_36 {
        %mul3A_42 = arith.constant 632 : i32
        %mul3A_43 = arith.muli %arg1, %mul3A_42 : i32
        "tpu.region"() ({
          %run_scoped3A = tpu.sem_alloc : memref<!tpu.dma_semaphore, #tpu.memory_space<semaphore_mem>>
          %dma_start3A = arith.constant 0 : i32
          %dma_start3A_44 = tpu.memref_slice %arg7[%mul3A_43, %dma_start3A] : memref<10000x80xf32, #tpu.memory_space<hbm>> -> memref<632x80xf32, #tpu.memory_space<hbm>>
          %dma_start3A_45 = arith.constant 0 : i32
          %dma_start3A_46 = tpu.memref_slice %arg12[%mul3A_43, %dma_start3A_45] : memref<10112x80xf32, #tpu.memory_space<vmem_shared>> -> memref<632x80xf32, #tpu.memory_space<vmem_shared>>
          tpu.enqueue_dma source(%dma_start3A_46 : memref<632x80xf32, #tpu.memory_space<vmem_shared>>) target(%dma_start3A_44 : memref<632x80xf32, #tpu.memory_space<hbm>>) target_semaphore(%run_scoped3A : memref<!tpu.dma_semaphore, #tpu.memory_space<semaphore_mem>>)
          %dma_wait3A = arith.constant 0 : i32
          %dma_wait3A_47 = tpu.memref_slice %arg7[%mul3A_43, %dma_wait3A] : memref<10000x80xf32, #tpu.memory_space<hbm>> -> memref<632x80xf32, #tpu.memory_space<hbm>>
          %dma_wait3A_48 = arith.constant 0 : i32
          %dma_wait3A_49 = tpu.memref_slice %arg12[%mul3A_43, %dma_wait3A_48] : memref<10112x80xf32, #tpu.memory_space<vmem_shared>> -> memref<632x80xf32, #tpu.memory_space<vmem_shared>>
          tpu.wait_dma2 semaphore(%run_scoped3A : memref<!tpu.dma_semaphore, #tpu.memory_space<semaphore_mem>>) src(%dma_wait3A_49 : memref<632x80xf32, #tpu.memory_space<vmem_shared>>) dst(%dma_wait3A_47 : memref<632x80xf32, #tpu.memory_space<hbm>>)
          tpu.yield
        }) : () -> ()
      } else {
      }
      %eq3A_37 = arith.constant 15 : i32
      %eq3A_38 = arith.cmpi eq, %arg1, %eq3A_37 : i32
      %convert_element_type3A_39 = arith.extui %eq3A_38 : i1 to i32
      %cond3A_40 = arith.constant 0 : i32
      %cond3A_41 = arith.cmpi ne, %convert_element_type3A_39, %cond3A_40 : i32
      scf.if %cond3A_41 {
        "tpu.region"() ({
          %run_scoped3A = tpu.sem_alloc : memref<!tpu.dma_semaphore, #tpu.memory_space<semaphore_mem>>
          %dma_start3A = arith.constant 9480 : i32
          %dma_start3A_42 = arith.constant 0 : i32
          %dma_start3A_43 = tpu.memref_slice %arg7[%dma_start3A, %dma_start3A_42] : memref<10000x80xf32, #tpu.memory_space<hbm>> -> memref<520x80xf32, #tpu.memory_space<hbm>>
          %dma_start3A_44 = arith.constant 9480 : i32
          %dma_start3A_45 = arith.constant 0 : i32
          %dma_start3A_46 = tpu.memref_slice %arg12[%dma_start3A_44, %dma_start3A_45] : memref<10112x80xf32, #tpu.memory_space<vmem_shared>> -> memref<520x80xf32, #tpu.memory_space<vmem_shared>>
          tpu.enqueue_dma source(%dma_start3A_46 : memref<520x80xf32, #tpu.memory_space<vmem_shared>>) target(%dma_start3A_43 : memref<520x80xf32, #tpu.memory_space<hbm>>) target_semaphore(%run_scoped3A : memref<!tpu.dma_semaphore, #tpu.memory_space<semaphore_mem>>)
          %dma_wait3A = arith.constant 9480 : i32
          %dma_wait3A_47 = arith.constant 0 : i32
          %dma_wait3A_48 = tpu.memref_slice %arg7[%dma_wait3A, %dma_wait3A_47] : memref<10000x80xf32, #tpu.memory_space<hbm>> -> memref<520x80xf32, #tpu.memory_space<hbm>>
          %dma_wait3A_49 = arith.constant 9480 : i32
          %dma_wait3A_50 = arith.constant 0 : i32
          %dma_wait3A_51 = tpu.memref_slice %arg12[%dma_wait3A_49, %dma_wait3A_50] : memref<10112x80xf32, #tpu.memory_space<vmem_shared>> -> memref<520x80xf32, #tpu.memory_space<vmem_shared>>
          tpu.wait_dma2 semaphore(%run_scoped3A : memref<!tpu.dma_semaphore, #tpu.memory_space<semaphore_mem>>) src(%dma_wait3A_51 : memref<520x80xf32, #tpu.memory_space<vmem_shared>>) dst(%dma_wait3A_48 : memref<520x80xf32, #tpu.memory_space<hbm>>)
          tpu.yield
        }) : () -> ()
      } else {
      }
    } else {
    }
    return
  }
}

module attributes {stable_mosaic.version = 14 : i64} {
  func.func @body(%arg0: i32, %arg1: memref<400x128xf32, #tpu.memory_space<vmem>>, %arg2: memref<400x8xf32, #tpu.memory_space<vmem>>, %arg3: memref<10000x8xf32, #tpu.memory_space<vmem>>, %arg4: memref<128x80xf32, #tpu.memory_space<vmem>>, %arg5: memref<128x80xf32, #tpu.memory_space<vmem>>, %arg6: memref<8x80xf32, #tpu.memory_space<vmem>>, %arg7: memref<8x80xf32, #tpu.memory_space<vmem>>, %arg8: memref<8x80xf32, #tpu.memory_space<vmem>>, %arg9: memref<8x80xf32, #tpu.memory_space<vmem>>, %arg10: memref<400x80xf32, #tpu.memory_space<vmem>>, %arg11: memref<400x80xf32, #tpu.memory_space<vmem>>) attributes {dimension_semantics = [#tpu.dimension_semantics<arbitrary>], iteration_bounds = array<i64: 25>, scalar_prefetch = 0 : i64, scratch_operands = 0 : i64, tpu.core_type = #tpu.core_type<tc>, window_params = [{transform_indices = @transform_0, window_bounds = array<i64: 400, 128>}, {transform_indices = @transform_1, window_bounds = array<i64: 400, 8>}, {pipeline_mode = #tpu.pipeline_mode<synchronous>, transform_indices = @transform_2, window_bounds = array<i64: 10000, 8>}, {pipeline_mode = #tpu.pipeline_mode<synchronous>, transform_indices = @transform_3, window_bounds = array<i64: 128, 80>}, {pipeline_mode = #tpu.pipeline_mode<synchronous>, transform_indices = @transform_4, window_bounds = array<i64: 128, 80>}, {pipeline_mode = #tpu.pipeline_mode<synchronous>, transform_indices = @transform_5, window_bounds = array<i64: 8, 80>}, {pipeline_mode = #tpu.pipeline_mode<synchronous>, transform_indices = @transform_6, window_bounds = array<i64: 8, 80>}, {pipeline_mode = #tpu.pipeline_mode<synchronous>, transform_indices = @transform_7, window_bounds = array<i64: 8, 80>}, {pipeline_mode = #tpu.pipeline_mode<synchronous>, transform_indices = @transform_8, window_bounds = array<i64: 8, 80>}, {transform_indices = @transform_9, window_bounds = array<i64: 400, 80>}, {transform_indices = @transform_10, window_bounds = array<i64: 400, 80>}]} {
    %get3A = arith.constant 0 : index
    %get3A_0 = arith.constant 0 : index
    %get3A_1 = vector.load %arg3[%get3A, %get3A_0] : memref<10000x8xf32, #tpu.memory_space<vmem>>, vector<10000x8xf32>
    %reduce_max3A = arith.constant dense<0xFF800000> : vector<8xf32>
    %reduce_max3A_2 = vector.multi_reduction <maximumf>, %get3A_1, %reduce_max3A [0] : vector<10000x8xf32> to vector<8xf32>
    %get3A_3 = arith.constant 0 : index
    %get3A_4 = arith.constant 0 : index
    %get3A_5 = vector.load %arg2[%get3A_3, %get3A_4] : memref<400x8xf32, #tpu.memory_space<vmem>>, vector<400x8xf32>
    %broadcast_in_dim3A = vector.shape_cast %reduce_max3A_2 : vector<8xf32> to vector<1x8xf32>
    %sub3A = vector.broadcast %broadcast_in_dim3A : vector<1x8xf32> to vector<400x8xf32>
    %sub3A_6 = arith.subf %get3A_5, %sub3A : vector<400x8xf32>
    %exp3A = math.exp %sub3A_6 : vector<400x8xf32>
    %get3A_7 = arith.constant 0 : index
    %get3A_8 = arith.constant 0 : index
    %get3A_9 = vector.load %arg1[%get3A_7, %get3A_8] : memref<400x128xf32, #tpu.memory_space<vmem>>, vector<400x128xf32>
    %get3A_10 = arith.constant 0 : index
    %get3A_11 = arith.constant 0 : index
    %get3A_12 = vector.load %arg4[%get3A_10, %get3A_11] : memref<128x80xf32, #tpu.memory_space<vmem>>, vector<128x80xf32>
    %dot_general3A = arith.constant dense<0.000000e+00> : vector<400x80xf32>
    %dot_general3A_13 = tpu.matmul %get3A_9, %get3A_12, %dot_general3A {dimension_numbers = #tpu.dot_dimension_numbers<[1], [0], [0], [1], [0, 0, 1, 1], [], []>, transpose_lhs_hint = false} : vector<400x128xf32>, vector<128x80xf32>, vector<400x80xf32> -> vector<400x80xf32>
    %get3A_14 = arith.constant 0 : index
    %get3A_15 = arith.constant 0 : index
    %get3A_16 = vector.load %arg6[%get3A_14, %get3A_15] : memref<8x80xf32, #tpu.memory_space<vmem>>, vector<8x80xf32>
    %dot_general3A_17 = arith.constant dense<0.000000e+00> : vector<400x80xf32>
    %dot_general3A_18 = tpu.matmul %exp3A, %get3A_16, %dot_general3A_17 {dimension_numbers = #tpu.dot_dimension_numbers<[1], [0], [0], [1], [0, 0, 1, 1], [], []>, transpose_lhs_hint = false} : vector<400x8xf32>, vector<8x80xf32>, vector<400x80xf32> -> vector<400x80xf32>
    %get3A_19 = arith.constant 0 : index
    %get3A_20 = arith.constant 0 : index
    %get3A_21 = vector.load %arg8[%get3A_19, %get3A_20] : memref<8x80xf32, #tpu.memory_space<vmem>>, vector<8x80xf32>
    %dot_general3A_22 = arith.constant dense<0.000000e+00> : vector<400x80xf32>
    %dot_general3A_23 = tpu.matmul %exp3A, %get3A_21, %dot_general3A_22 {dimension_numbers = #tpu.dot_dimension_numbers<[1], [0], [0], [1], [0, 0, 1, 1], [], []>, transpose_lhs_hint = false} : vector<400x8xf32>, vector<8x80xf32>, vector<400x80xf32> -> vector<400x80xf32>
    %mul3A = arith.mulf %dot_general3A_13, %dot_general3A_18 : vector<400x80xf32>
    %add3A = arith.addf %mul3A, %dot_general3A_23 : vector<400x80xf32>
    %swap3A = arith.constant 0 : index
    %swap3A_24 = arith.constant 0 : index
    %swap3A_25 = vector.load %arg10[%swap3A, %swap3A_24] : memref<400x80xf32, #tpu.memory_space<vmem>>, vector<400x80xf32>
    tpu.vector_store %arg10[%swap3A, %swap3A_24], %add3A {strides = array<i32>} : memref<400x80xf32, #tpu.memory_space<vmem>>, vector<400x80xf32>,
    %get3A_26 = arith.constant 0 : index
    %get3A_27 = arith.constant 0 : index
    %get3A_28 = vector.load %arg5[%get3A_26, %get3A_27] : memref<128x80xf32, #tpu.memory_space<vmem>>, vector<128x80xf32>
    %dot_general3A_29 = arith.constant dense<0.000000e+00> : vector<400x80xf32>
    %dot_general3A_30 = tpu.matmul %get3A_9, %get3A_28, %dot_general3A_29 {dimension_numbers = #tpu.dot_dimension_numbers<[1], [0], [0], [1], [0, 0, 1, 1], [], []>, transpose_lhs_hint = false} : vector<400x128xf32>, vector<128x80xf32>, vector<400x80xf32> -> vector<400x80xf32>
    %get3A_31 = arith.constant 0 : index
    %get3A_32 = arith.constant 0 : index
    %get3A_33 = vector.load %arg7[%get3A_31, %get3A_32] : memref<8x80xf32, #tpu.memory_space<vmem>>, vector<8x80xf32>
    %dot_general3A_34 = arith.constant dense<0.000000e+00> : vector<400x80xf32>
    %dot_general3A_35 = tpu.matmul %exp3A, %get3A_33, %dot_general3A_34 {dimension_numbers = #tpu.dot_dimension_numbers<[1], [0], [0], [1], [0, 0, 1, 1], [], []>, transpose_lhs_hint = false} : vector<400x8xf32>, vector<8x80xf32>, vector<400x80xf32> -> vector<400x80xf32>
    %get3A_36 = arith.constant 0 : index
    %get3A_37 = arith.constant 0 : index
    %get3A_38 = vector.load %arg9[%get3A_36, %get3A_37] : memref<8x80xf32, #tpu.memory_space<vmem>>, vector<8x80xf32>
    %dot_general3A_39 = arith.constant dense<0.000000e+00> : vector<400x80xf32>
    %dot_general3A_40 = tpu.matmul %exp3A, %get3A_38, %dot_general3A_39 {dimension_numbers = #tpu.dot_dimension_numbers<[1], [0], [0], [1], [0, 0, 1, 1], [], []>, transpose_lhs_hint = false} : vector<400x8xf32>, vector<8x80xf32>, vector<400x80xf32> -> vector<400x80xf32>
    %mul3A_41 = arith.mulf %dot_general3A_30, %dot_general3A_35 : vector<400x80xf32>
    %add3A_42 = arith.addf %mul3A_41, %dot_general3A_40 : vector<400x80xf32>
    %swap3A_43 = arith.constant 0 : index
    %swap3A_44 = arith.constant 0 : index
    %swap3A_45 = vector.load %arg11[%swap3A_43, %swap3A_44] : memref<400x80xf32, #tpu.memory_space<vmem>>, vector<400x80xf32>
    tpu.vector_store %arg11[%swap3A_43, %swap3A_44], %add3A_42 {strides = array<i32>} : memref<400x80xf32, #tpu.memory_space<vmem>>, vector<400x80xf32>,
    return
  }
  func.func @transform_0(%arg0: i32) -> (i32, i32) {
    %c0_i32 = arith.constant 0 : i32
    %c0_i32_0 = arith.constant 0 : i32
    return %arg0, %c0_i32 : i32, i32
  }
  func.func @transform_1(%arg0: i32) -> (i32, i32) {
    %c0_i32 = arith.constant 0 : i32
    %c0_i32_0 = arith.constant 0 : i32
    return %arg0, %c0_i32 : i32, i32
  }
  func.func @transform_2(%arg0: i32) -> (i32, i32) {
    %c0_i32 = arith.constant 0 : i32
    %c0_i32_0 = arith.constant 0 : i32
    %c0_i32_1 = arith.constant 0 : i32
    return %c0_i32, %c0_i32_0 : i32, i32
  }
  func.func @transform_3(%arg0: i32) -> (i32, i32) {
    %c0_i32 = arith.constant 0 : i32
    %c0_i32_0 = arith.constant 0 : i32
    %c0_i32_1 = arith.constant 0 : i32
    return %c0_i32, %c0_i32_0 : i32, i32
  }
  func.func @transform_4(%arg0: i32) -> (i32, i32) {
    %c0_i32 = arith.constant 0 : i32
    %c0_i32_0 = arith.constant 0 : i32
    %c0_i32_1 = arith.constant 0 : i32
    return %c0_i32, %c0_i32_0 : i32, i32
  }
  func.func @transform_5(%arg0: i32) -> (i32, i32) {
    %c0_i32 = arith.constant 0 : i32
    %c0_i32_0 = arith.constant 0 : i32
    %c0_i32_1 = arith.constant 0 : i32
    return %c0_i32, %c0_i32_0 : i32, i32
  }
  func.func @transform_6(%arg0: i32) -> (i32, i32) {
    %c0_i32 = arith.constant 0 : i32
    %c0_i32_0 = arith.constant 0 : i32
    %c0_i32_1 = arith.constant 0 : i32
    return %c0_i32, %c0_i32_0 : i32, i32
  }
  func.func @transform_7(%arg0: i32) -> (i32, i32) {
    %c0_i32 = arith.constant 0 : i32
    %c0_i32_0 = arith.constant 0 : i32
    %c0_i32_1 = arith.constant 0 : i32
    return %c0_i32, %c0_i32_0 : i32, i32
  }
  func.func @transform_8(%arg0: i32) -> (i32, i32) {
    %c0_i32 = arith.constant 0 : i32
    %c0_i32_0 = arith.constant 0 : i32
    %c0_i32_1 = arith.constant 0 : i32
    return %c0_i32, %c0_i32_0 : i32, i32
  }
  func.func @transform_9(%arg0: i32) -> (i32, i32) {
    %c0_i32 = arith.constant 0 : i32
    %c0_i32_0 = arith.constant 0 : i32
    return %arg0, %c0_i32 : i32, i32
  }
  func.func @transform_10(%arg0: i32) -> (i32, i32) {
    %c0_i32 = arith.constant 0 : i32
    %c0_i32_0 = arith.constant 0 : i32
    return %arg0, %c0_i32 : i32, i32
  }
}

module attributes {stable_mosaic.version = 14 : i64} {
  func.func @body(%arg0: i32, %arg1: memref<400x128xf32, #tpu.memory_space<vmem>>, %arg2: memref<128x128xf32, #tpu.memory_space<vmem>>, %arg3: memref<128x8xf32, #tpu.memory_space<vmem>>, %arg4: memref<400x128xf32, #tpu.memory_space<vmem>>, %arg5: memref<400x8xf32, #tpu.memory_space<vmem>>) attributes {dimension_semantics = [#tpu.dimension_semantics<arbitrary>], iteration_bounds = array<i64: 25>, scalar_prefetch = 0 : i64, scratch_operands = 0 : i64, tpu.core_type = #tpu.core_type<tc>, window_params = [{transform_indices = @transform_0, window_bounds = array<i64: 400, 128>}, {pipeline_mode = #tpu.pipeline_mode<synchronous>, transform_indices = @transform_1, window_bounds = array<i64: 128, 128>}, {pipeline_mode = #tpu.pipeline_mode<synchronous>, transform_indices = @transform_2, window_bounds = array<i64: 128, 8>}, {transform_indices = @transform_3, window_bounds = array<i64: 400, 128>}, {transform_indices = @transform_4, window_bounds = array<i64: 400, 8>}]} {
    %get3A = arith.constant 0 : index
    %get3A_0 = arith.constant 0 : index
    %get3A_1 = vector.load %arg1[%get3A, %get3A_0] : memref<400x128xf32, #tpu.memory_space<vmem>>, vector<400x128xf32>
    %get3A_2 = arith.constant 0 : index
    %get3A_3 = arith.constant 0 : index
    %get3A_4 = vector.load %arg2[%get3A_2, %get3A_3] : memref<128x128xf32, #tpu.memory_space<vmem>>, vector<128x128xf32>
    %dot_general3A = arith.constant dense<0.000000e+00> : vector<400x128xf32>
    %dot_general3A_5 = tpu.matmul %get3A_1, %get3A_4, %dot_general3A {dimension_numbers = #tpu.dot_dimension_numbers<[1], [0], [0], [1], [0, 0, 1, 1], [], []>, transpose_lhs_hint = false} : vector<400x128xf32>, vector<128x128xf32>, vector<400x128xf32> -> vector<400x128xf32>
    %gt3A = arith.constant 0.000000e+00 : f32
    %gt3A_6 = vector.broadcast %gt3A : f32 to vector<400x128xf32>
    %gt3A_7 = arith.cmpf ogt, %dot_general3A_5, %gt3A_6 : vector<400x128xf32>
    %mul3A = arith.constant 2.000000e-01 : f32
    %mul3A_8 = vector.broadcast %mul3A : f32 to vector<400x128xf32>
    %mul3A_9 = arith.mulf %mul3A_8, %dot_general3A_5 : vector<400x128xf32>
    %select_n3A = arith.select %gt3A_7, %dot_general3A_5, %mul3A_9 : vector<400x128xi1>, vector<400x128xf32>
    %swap3A = arith.constant 0 : index
    %swap3A_10 = arith.constant 0 : index
    %swap3A_11 = vector.load %arg4[%swap3A, %swap3A_10] : memref<400x128xf32, #tpu.memory_space<vmem>>, vector<400x128xf32>
    tpu.vector_store %arg4[%swap3A, %swap3A_10], %select_n3A {strides = array<i32>} : memref<400x128xf32, #tpu.memory_space<vmem>>, vector<400x128xf32>,
    %get3A_12 = arith.constant 0 : index
    %get3A_13 = arith.constant 0 : index
    %get3A_14 = vector.load %arg3[%get3A_12, %get3A_13] : memref<128x8xf32, #tpu.memory_space<vmem>>, vector<128x8xf32>
    %dot_general3A_15 = arith.constant dense<0.000000e+00> : vector<400x8xf32>
    %dot_general3A_16 = tpu.matmul %select_n3A, %get3A_14, %dot_general3A_15 {dimension_numbers = #tpu.dot_dimension_numbers<[1], [0], [0], [1], [0, 0, 1, 1], [], []>, transpose_lhs_hint = false} : vector<400x128xf32>, vector<128x8xf32>, vector<400x8xf32> -> vector<400x8xf32>
    %swap3A_17 = arith.constant 0 : index
    %swap3A_18 = arith.constant 0 : index
    %swap3A_19 = vector.load %arg5[%swap3A_17, %swap3A_18] : memref<400x8xf32, #tpu.memory_space<vmem>>, vector<400x8xf32>
    tpu.vector_store %arg5[%swap3A_17, %swap3A_18], %dot_general3A_16 {strides = array<i32>} : memref<400x8xf32, #tpu.memory_space<vmem>>, vector<400x8xf32>,
    return
  }
  func.func @transform_0(%arg0: i32) -> (i32, i32) {
    %c0_i32 = arith.constant 0 : i32
    %c0_i32_0 = arith.constant 0 : i32
    return %arg0, %c0_i32 : i32, i32
  }
  func.func @transform_1(%arg0: i32) -> (i32, i32) {
    %c0_i32 = arith.constant 0 : i32
    %c0_i32_0 = arith.constant 0 : i32
    %c0_i32_1 = arith.constant 0 : i32
    return %c0_i32, %c0_i32_0 : i32, i32
  }
  func.func @transform_2(%arg0: i32) -> (i32, i32) {
    %c0_i32 = arith.constant 0 : i32
    %c0_i32_0 = arith.constant 0 : i32
    %c0_i32_1 = arith.constant 0 : i32
    return %c0_i32, %c0_i32_0 : i32, i32
  }
  func.func @transform_3(%arg0: i32) -> (i32, i32) {
    %c0_i32 = arith.constant 0 : i32
    %c0_i32_0 = arith.constant 0 : i32
    return %arg0, %c0_i32 : i32, i32
  }
  func.func @transform_4(%arg0: i32) -> (i32, i32) {
    %c0_i32 = arith.constant 0 : i32
    %c0_i32_0 = arith.constant 0 : i32
    return %arg0, %c0_i32 : i32, i32
  }
}

module attributes {stable_mosaic.version = 14 : i64} {
  func.func @body(%arg0: i32, %arg1: memref<400x80xf32, #tpu.memory_space<vmem>>, %arg2: memref<400x80xf32, #tpu.memory_space<vmem>>, %arg3: memref<128x32xf32, #tpu.memory_space<vmem>>, %arg4: memref<32x8xf32, #tpu.memory_space<vmem>>, %arg5: memref<80x128xf32, #tpu.memory_space<vmem>>, %arg6: memref<80x128xf32, #tpu.memory_space<vmem>>, %arg7: memref<80x8xf32, #tpu.memory_space<vmem>>, %arg8: memref<4x128xf32, #tpu.memory_space<vmem>>, %arg9: memref<400x32xf32, #tpu.memory_space<vmem>>, %arg10: memref<400x8xf32, #tpu.memory_space<vmem>>) attributes {dimension_semantics = [#tpu.dimension_semantics<arbitrary>], iteration_bounds = array<i64: 25>, scalar_prefetch = 0 : i64, scratch_operands = 0 : i64, tpu.core_type = #tpu.core_type<tc>, window_params = [{transform_indices = @transform_0, window_bounds = array<i64: 400, 80>}, {transform_indices = @transform_1, window_bounds = array<i64: 400, 80>}, {pipeline_mode = #tpu.pipeline_mode<synchronous>, transform_indices = @transform_2, window_bounds = array<i64: 128, 32>}, {pipeline_mode = #tpu.pipeline_mode<synchronous>, transform_indices = @transform_3, window_bounds = array<i64: 32, 8>}, {pipeline_mode = #tpu.pipeline_mode<synchronous>, transform_indices = @transform_4, window_bounds = array<i64: 80, 128>}, {pipeline_mode = #tpu.pipeline_mode<synchronous>, transform_indices = @transform_5, window_bounds = array<i64: 80, 128>}, {pipeline_mode = #tpu.pipeline_mode<synchronous>, transform_indices = @transform_6, window_bounds = array<i64: 80, 8>}, {pipeline_mode = #tpu.pipeline_mode<synchronous>, transform_indices = @transform_7, window_bounds = array<i64: 4, 128>}, {transform_indices = @transform_8, window_bounds = array<i64: 400, 32>}, {transform_indices = @transform_9, window_bounds = array<i64: 400, 8>}]} {
    %get3A = arith.constant 0 : index
    %get3A_0 = arith.constant 0 : index
    %get3A_1 = vector.load %arg1[%get3A, %get3A_0] : memref<400x80xf32, #tpu.memory_space<vmem>>, vector<400x80xf32>
    %get3A_2 = arith.constant 0 : index
    %get3A_3 = arith.constant 0 : index
    %get3A_4 = vector.load %arg2[%get3A_2, %get3A_3] : memref<400x80xf32, #tpu.memory_space<vmem>>, vector<400x80xf32>
    %get3A_5 = arith.constant 0 : index
    %get3A_6 = arith.constant 0 : index
    %get3A_7 = vector.load %arg5[%get3A_5, %get3A_6] : memref<80x128xf32, #tpu.memory_space<vmem>>, vector<80x128xf32>
    %dot_general3A = arith.constant dense<0.000000e+00> : vector<400x128xf32>
    %dot_general3A_8 = tpu.matmul %get3A_1, %get3A_7, %dot_general3A {dimension_numbers = #tpu.dot_dimension_numbers<[1], [0], [0], [1], [0, 0, 1, 1], [], []>, transpose_lhs_hint = false} : vector<400x80xf32>, vector<80x128xf32>, vector<400x128xf32> -> vector<400x128xf32>
    %get3A_9 = arith.constant 0 : index
    %get3A_10 = arith.constant 0 : index
    %get3A_11 = vector.load %arg6[%get3A_9, %get3A_10] : memref<80x128xf32, #tpu.memory_space<vmem>>, vector<80x128xf32>
    %dot_general3A_12 = arith.constant dense<0.000000e+00> : vector<400x128xf32>
    %dot_general3A_13 = tpu.matmul %get3A_4, %get3A_11, %dot_general3A_12 {dimension_numbers = #tpu.dot_dimension_numbers<[1], [0], [0], [1], [0, 0, 1, 1], [], []>, transpose_lhs_hint = false} : vector<400x80xf32>, vector<80x128xf32>, vector<400x128xf32> -> vector<400x128xf32>
    %add3A = arith.addf %dot_general3A_8, %dot_general3A_13 : vector<400x128xf32>
    %get3A_14 = arith.constant 0 : index
    %get3A_15 = arith.constant 0 : index
    %get3A_16 = vector.load %arg7[%get3A_14, %get3A_15] : memref<80x8xf32, #tpu.memory_space<vmem>>, vector<80x8xf32>
    %slice3A = vector.extract_strided_slice %get3A_16 {offsets = [0, 0], sizes = [80, 4], strides = [1, 1]} : vector<80x8xf32> to vector<80x4xf32>
    %dot_general3A_17 = arith.constant dense<0.000000e+00> : vector<400x4xf32>
    %dot_general3A_18 = tpu.matmul %get3A_1, %slice3A, %dot_general3A_17 {dimension_numbers = #tpu.dot_dimension_numbers<[1], [0], [0], [1], [0, 0, 1, 1], [], []>, transpose_lhs_hint = false} : vector<400x80xf32>, vector<80x4xf32>, vector<400x4xf32> -> vector<400x4xf32>
    %get3A_19 = arith.constant 0 : index
    %get3A_20 = arith.constant 0 : index
    %get3A_21 = vector.load %arg7[%get3A_19, %get3A_20] : memref<80x8xf32, #tpu.memory_space<vmem>>, vector<80x8xf32>
    %slice3A_22 = vector.extract_strided_slice %get3A_21 {offsets = [0, 4], sizes = [80, 4], strides = [1, 1]} : vector<80x8xf32> to vector<80x4xf32>
    %dot_general3A_23 = arith.constant dense<0.000000e+00> : vector<400x4xf32>
    %dot_general3A_24 = tpu.matmul %get3A_4, %slice3A_22, %dot_general3A_23 {dimension_numbers = #tpu.dot_dimension_numbers<[1], [0], [0], [1], [0, 0, 1, 1], [], []>, transpose_lhs_hint = false} : vector<400x80xf32>, vector<80x4xf32>, vector<400x4xf32> -> vector<400x4xf32>
    %add3A_25 = arith.addf %dot_general3A_18, %dot_general3A_24 : vector<400x4xf32>
    %max3A = arith.constant 1.000000e-16 : f32
    %max3A_26 = vector.broadcast %max3A : f32 to vector<400x4xf32>
    %max3A_27 = arith.maximumf %add3A_25, %max3A_26 : vector<400x4xf32>
    %div3A = arith.constant 1.000000e+00 : f32
    %div3A_28 = vector.broadcast %div3A : f32 to vector<400x4xf32>
    %div3A_29 = arith.divf %div3A_28, %max3A_27 : vector<400x4xf32>
    %get3A_30 = arith.constant 0 : index
    %get3A_31 = arith.constant 0 : index
    %get3A_32 = vector.load %arg8[%get3A_30, %get3A_31] : memref<4x128xf32, #tpu.memory_space<vmem>>, vector<4x128xf32>
    %dot_general3A_33 = arith.constant dense<0.000000e+00> : vector<400x128xf32>
    %dot_general3A_34 = tpu.matmul %div3A_29, %get3A_32, %dot_general3A_33 {dimension_numbers = #tpu.dot_dimension_numbers<[1], [0], [0], [1], [0, 0, 1, 1], [], []>, transpose_lhs_hint = false} : vector<400x4xf32>, vector<4x128xf32>, vector<400x128xf32> -> vector<400x128xf32>
    %mul3A = arith.mulf %add3A, %dot_general3A_34 : vector<400x128xf32>
    %gt3A = arith.constant 0.000000e+00 : f32
    %gt3A_35 = vector.broadcast %gt3A : f32 to vector<400x128xf32>
    %gt3A_36 = arith.cmpf ogt, %mul3A, %gt3A_35 : vector<400x128xf32>
    %exp3A = math.exp %mul3A : vector<400x128xf32>
    %sub3A = arith.constant 1.000000e+00 : f32
    %sub3A_37 = vector.broadcast %sub3A : f32 to vector<400x128xf32>
    %sub3A_38 = arith.subf %exp3A, %sub3A_37 : vector<400x128xf32>
    %select_n3A = arith.select %gt3A_36, %mul3A, %sub3A_38 : vector<400x128xi1>, vector<400x128xf32>
    %get3A_39 = arith.constant 0 : index
    %get3A_40 = arith.constant 0 : index
    %get3A_41 = vector.load %arg3[%get3A_39, %get3A_40] : memref<128x32xf32, #tpu.memory_space<vmem>>, vector<128x32xf32>
    %dot_general3A_42 = arith.constant dense<0.000000e+00> : vector<400x32xf32>
    %dot_general3A_43 = tpu.matmul %select_n3A, %get3A_41, %dot_general3A_42 {dimension_numbers = #tpu.dot_dimension_numbers<[1], [0], [0], [1], [0, 0, 1, 1], [], []>, transpose_lhs_hint = false} : vector<400x128xf32>, vector<128x32xf32>, vector<400x32xf32> -> vector<400x32xf32>
    %gt3A_44 = arith.constant 0.000000e+00 : f32
    %gt3A_45 = vector.broadcast %gt3A_44 : f32 to vector<400x32xf32>
    %gt3A_46 = arith.cmpf ogt, %dot_general3A_43, %gt3A_45 : vector<400x32xf32>
    %mul3A_47 = arith.constant 2.000000e-01 : f32
    %mul3A_48 = vector.broadcast %mul3A_47 : f32 to vector<400x32xf32>
    %mul3A_49 = arith.mulf %mul3A_48, %dot_general3A_43 : vector<400x32xf32>
    %select_n3A_50 = arith.select %gt3A_46, %dot_general3A_43, %mul3A_49 : vector<400x32xi1>, vector<400x32xf32>
    %swap3A = arith.constant 0 : index
    %swap3A_51 = arith.constant 0 : index
    %swap3A_52 = vector.load %arg9[%swap3A, %swap3A_51] : memref<400x32xf32, #tpu.memory_space<vmem>>, vector<400x32xf32>
    tpu.vector_store %arg9[%swap3A, %swap3A_51], %select_n3A_50 {strides = array<i32>} : memref<400x32xf32, #tpu.memory_space<vmem>>, vector<400x32xf32>,
    %get3A_53 = arith.constant 0 : index
    %get3A_54 = arith.constant 0 : index
    %get3A_55 = vector.load %arg4[%get3A_53, %get3A_54] : memref<32x8xf32, #tpu.memory_space<vmem>>, vector<32x8xf32>
    %dot_general3A_56 = arith.constant dense<0.000000e+00> : vector<400x8xf32>
    %dot_general3A_57 = tpu.matmul %select_n3A_50, %get3A_55, %dot_general3A_56 {dimension_numbers = #tpu.dot_dimension_numbers<[1], [0], [0], [1], [0, 0, 1, 1], [], []>, transpose_lhs_hint = false} : vector<400x32xf32>, vector<32x8xf32>, vector<400x8xf32> -> vector<400x8xf32>
    %swap3A_58 = arith.constant 0 : index
    %swap3A_59 = arith.constant 0 : index
    %swap3A_60 = vector.load %arg10[%swap3A_58, %swap3A_59] : memref<400x8xf32, #tpu.memory_space<vmem>>, vector<400x8xf32>
    tpu.vector_store %arg10[%swap3A_58, %swap3A_59], %dot_general3A_57 {strides = array<i32>} : memref<400x8xf32, #tpu.memory_space<vmem>>, vector<400x8xf32>,
    return
  }
  func.func @transform_0(%arg0: i32) -> (i32, i32) {
    %c0_i32 = arith.constant 0 : i32
    %c0_i32_0 = arith.constant 0 : i32
    return %arg0, %c0_i32 : i32, i32
  }
  func.func @transform_1(%arg0: i32) -> (i32, i32) {
    %c0_i32 = arith.constant 0 : i32
    %c0_i32_0 = arith.constant 0 : i32
    return %arg0, %c0_i32 : i32, i32
  }
  func.func @transform_2(%arg0: i32) -> (i32, i32) {
    %c0_i32 = arith.constant 0 : i32
    %c0_i32_0 = arith.constant 0 : i32
    %c0_i32_1 = arith.constant 0 : i32
    return %c0_i32, %c0_i32_0 : i32, i32
  }
  func.func @transform_3(%arg0: i32) -> (i32, i32) {
    %c0_i32 = arith.constant 0 : i32
    %c0_i32_0 = arith.constant 0 : i32
    %c0_i32_1 = arith.constant 0 : i32
    return %c0_i32, %c0_i32_0 : i32, i32
  }
  func.func @transform_4(%arg0: i32) -> (i32, i32) {
    %c0_i32 = arith.constant 0 : i32
    %c0_i32_0 = arith.constant 0 : i32
    %c0_i32_1 = arith.constant 0 : i32
    return %c0_i32, %c0_i32_0 : i32, i32
  }
  func.func @transform_5(%arg0: i32) -> (i32, i32) {
    %c0_i32 = arith.constant 0 : i32
    %c0_i32_0 = arith.constant 0 : i32
    %c0_i32_1 = arith.constant 0 : i32
    return %c0_i32, %c0_i32_0 : i32, i32
  }
  func.func @transform_6(%arg0: i32) -> (i32, i32) {
    %c0_i32 = arith.constant 0 : i32
    %c0_i32_0 = arith.constant 0 : i32
    %c0_i32_1 = arith.constant 0 : i32
    return %c0_i32, %c0_i32_0 : i32, i32
  }
  func.func @transform_7(%arg0: i32) -> (i32, i32) {
    %c0_i32 = arith.constant 0 : i32
    %c0_i32_0 = arith.constant 0 : i32
    %c0_i32_1 = arith.constant 0 : i32
    return %c0_i32, %c0_i32_0 : i32, i32
  }
  func.func @transform_8(%arg0: i32) -> (i32, i32) {
    %c0_i32 = arith.constant 0 : i32
    %c0_i32_0 = arith.constant 0 : i32
    return %arg0, %c0_i32 : i32, i32
  }
  func.func @transform_9(%arg0: i32) -> (i32, i32) {
    %c0_i32 = arith.constant 0 : i32
    %c0_i32_0 = arith.constant 0 : i32
    return %arg0, %c0_i32 : i32, i32
  }
}

module attributes {stable_mosaic.version = 14 : i64} {
  func.func @body(%arg0: i32, %arg1: memref<400x32xf32, #tpu.memory_space<vmem>>, %arg2: memref<400x8xf32, #tpu.memory_space<vmem>>, %arg3: memref<10000x8xf32, #tpu.memory_space<vmem>>, %arg4: memref<32x48xf32, #tpu.memory_space<vmem>>, %arg5: memref<1x48xf32, #tpu.memory_space<vmem>>, %arg6: memref<1x48xf32, #tpu.memory_space<vmem>>, %arg7: memref<400x48xf32, #tpu.memory_space<vmem>>) attributes {dimension_semantics = [#tpu.dimension_semantics<arbitrary>], iteration_bounds = array<i64: 25>, scalar_prefetch = 0 : i64, scratch_operands = 0 : i64, tpu.core_type = #tpu.core_type<tc>, window_params = [{transform_indices = @transform_0, window_bounds = array<i64: 400, 32>}, {transform_indices = @transform_1, window_bounds = array<i64: 400, 8>}, {pipeline_mode = #tpu.pipeline_mode<synchronous>, transform_indices = @transform_2, window_bounds = array<i64: 10000, 8>}, {pipeline_mode = #tpu.pipeline_mode<synchronous>, transform_indices = @transform_3, window_bounds = array<i64: 32, 48>}, {pipeline_mode = #tpu.pipeline_mode<synchronous>, transform_indices = @transform_4, window_bounds = array<i64: 1, 48>}, {pipeline_mode = #tpu.pipeline_mode<synchronous>, transform_indices = @transform_5, window_bounds = array<i64: 1, 48>}, {transform_indices = @transform_6, window_bounds = array<i64: 400, 48>}]} {
    %get3A = arith.constant 0 : index
    %get3A_0 = arith.constant 0 : index
    %get3A_1 = vector.load %arg3[%get3A, %get3A_0] : memref<10000x8xf32, #tpu.memory_space<vmem>>, vector<10000x8xf32>
    %slice3A = vector.extract_strided_slice %get3A_1 {offsets = [0, 0], sizes = [10000, 1], strides = [1, 1]} : vector<10000x8xf32> to vector<10000x1xf32>
    %squeeze3A = vector.shape_cast %slice3A : vector<10000x1xf32> to vector<10000xf32>
    %reduce_max3A = vector.shape_cast %squeeze3A : vector<10000xf32> to vector<1x10000xf32>
    %reduce_max3A_2 = arith.constant dense<0xFF800000> : vector<1xf32>
    %reduce_max3A_3 = vector.multi_reduction <maximumf>, %reduce_max3A, %reduce_max3A_2 [1] : vector<1x10000xf32> to vector<1xf32>
    %reduce_max3A_4 = vector.shape_cast %reduce_max3A_3 : vector<1xf32> to vector<1x1xf32>
    %reduce_max3A_5 = vector.extract %reduce_max3A_4[0, 0] : f32 from vector<1x1xf32>
    %get3A_6 = arith.constant 0 : index
    %get3A_7 = arith.constant 0 : index
    %get3A_8 = vector.load %arg2[%get3A_6, %get3A_7] : memref<400x8xf32, #tpu.memory_space<vmem>>, vector<400x8xf32>
    %slice3A_9 = vector.extract_strided_slice %get3A_8 {offsets = [0, 0], sizes = [400, 1], strides = [1, 1]} : vector<400x8xf32> to vector<400x1xf32>
    %sub3A = vector.broadcast %reduce_max3A_5 : f32 to vector<400x1xf32>
    %sub3A_10 = arith.subf %slice3A_9, %sub3A : vector<400x1xf32>
    %exp3A = math.exp %sub3A_10 : vector<400x1xf32>
    %get3A_11 = arith.constant 0 : index
    %get3A_12 = arith.constant 0 : index
    %get3A_13 = vector.load %arg1[%get3A_11, %get3A_12] : memref<400x32xf32, #tpu.memory_space<vmem>>, vector<400x32xf32>
    %get3A_14 = arith.constant 0 : index
    %get3A_15 = arith.constant 0 : index
    %get3A_16 = vector.load %arg4[%get3A_14, %get3A_15] : memref<32x48xf32, #tpu.memory_space<vmem>>, vector<32x48xf32>
    %dot_general3A = arith.constant dense<0.000000e+00> : vector<400x48xf32>
    %dot_general3A_17 = tpu.matmul %get3A_13, %get3A_16, %dot_general3A {dimension_numbers = #tpu.dot_dimension_numbers<[1], [0], [0], [1], [0, 0, 1, 1], [], []>, transpose_lhs_hint = false} : vector<400x32xf32>, vector<32x48xf32>, vector<400x48xf32> -> vector<400x48xf32>
    %get3A_18 = arith.constant 0 : index
    %get3A_19 = arith.constant 0 : index
    %get3A_20 = vector.load %arg5[%get3A_18, %get3A_19] : memref<1x48xf32, #tpu.memory_space<vmem>>, vector<1x48xf32>
    %dot_general3A_21 = arith.constant dense<0.000000e+00> : vector<400x48xf32>
    %dot_general3A_22 = tpu.matmul %exp3A, %get3A_20, %dot_general3A_21 {dimension_numbers = #tpu.dot_dimension_numbers<[1], [0], [0], [1], [0, 0, 1, 1], [], []>, transpose_lhs_hint = false} : vector<400x1xf32>, vector<1x48xf32>, vector<400x48xf32> -> vector<400x48xf32>
    %get3A_23 = arith.constant 0 : index
    %get3A_24 = arith.constant 0 : index
    %get3A_25 = vector.load %arg6[%get3A_23, %get3A_24] : memref<1x48xf32, #tpu.memory_space<vmem>>, vector<1x48xf32>
    %dot_general3A_26 = arith.constant dense<0.000000e+00> : vector<400x48xf32>
    %dot_general3A_27 = tpu.matmul %exp3A, %get3A_25, %dot_general3A_26 {dimension_numbers = #tpu.dot_dimension_numbers<[1], [0], [0], [1], [0, 0, 1, 1], [], []>, transpose_lhs_hint = false} : vector<400x1xf32>, vector<1x48xf32>, vector<400x48xf32> -> vector<400x48xf32>
    %mul3A = arith.mulf %dot_general3A_17, %dot_general3A_22 : vector<400x48xf32>
    %add3A = arith.addf %mul3A, %dot_general3A_27 : vector<400x48xf32>
    %swap3A = arith.constant 0 : index
    %swap3A_28 = arith.constant 0 : index
    %swap3A_29 = vector.load %arg7[%swap3A, %swap3A_28] : memref<400x48xf32, #tpu.memory_space<vmem>>, vector<400x48xf32>
    tpu.vector_store %arg7[%swap3A, %swap3A_28], %add3A {strides = array<i32>} : memref<400x48xf32, #tpu.memory_space<vmem>>, vector<400x48xf32>,
    return
  }
  func.func @transform_0(%arg0: i32) -> (i32, i32) {
    %c0_i32 = arith.constant 0 : i32
    %c0_i32_0 = arith.constant 0 : i32
    return %arg0, %c0_i32 : i32, i32
  }
  func.func @transform_1(%arg0: i32) -> (i32, i32) {
    %c0_i32 = arith.constant 0 : i32
    %c0_i32_0 = arith.constant 0 : i32
    return %arg0, %c0_i32 : i32, i32
  }
  func.func @transform_2(%arg0: i32) -> (i32, i32) {
    %c0_i32 = arith.constant 0 : i32
    %c0_i32_0 = arith.constant 0 : i32
    %c0_i32_1 = arith.constant 0 : i32
    return %c0_i32, %c0_i32_0 : i32, i32
  }
  func.func @transform_3(%arg0: i32) -> (i32, i32) {
    %c0_i32 = arith.constant 0 : i32
    %c0_i32_0 = arith.constant 0 : i32
    %c0_i32_1 = arith.constant 0 : i32
    return %c0_i32, %c0_i32_0 : i32, i32
  }
  func.func @transform_4(%arg0: i32) -> (i32, i32) {
    %c0_i32 = arith.constant 0 : i32
    %c0_i32_0 = arith.constant 0 : i32
    %c0_i32_1 = arith.constant 0 : i32
    return %c0_i32, %c0_i32_0 : i32, i32
  }
  func.func @transform_5(%arg0: i32) -> (i32, i32) {
    %c0_i32 = arith.constant 0 : i32
    %c0_i32_0 = arith.constant 0 : i32
    %c0_i32_1 = arith.constant 0 : i32
    return %c0_i32, %c0_i32_0 : i32, i32
  }
  func.func @transform_6(%arg0: i32) -> (i32, i32) {
    %c0_i32 = arith.constant 0 : i32
    %c0_i32_0 = arith.constant 0 : i32
    return %arg0, %c0_i32 : i32, i32
  }
}

module attributes {stable_mosaic.version = 14 : i64} {
  func.func @body(%arg0: i32, %arg1: memref<400x48xf32, #tpu.memory_space<vmem>>, %arg2: memref<400x48xf32, #tpu.memory_space<vmem>>, %arg3: memref<400x32xf32, #tpu.memory_space<vmem>>) attributes {dimension_semantics = [#tpu.dimension_semantics<arbitrary>], iteration_bounds = array<i64: 25>, scalar_prefetch = 0 : i64, scratch_operands = 0 : i64, tpu.core_type = #tpu.core_type<tc>, window_params = [{transform_indices = @transform_0, window_bounds = array<i64: 400, 48>}, {transform_indices = @transform_1, window_bounds = array<i64: 400, 48>}, {transform_indices = @transform_2, window_bounds = array<i64: 400, 32>}]} {
    %get3A = arith.constant 0 : index
    %get3A_0 = arith.constant 0 : index
    %get3A_1 = vector.load %arg1[%get3A, %get3A_0] : memref<400x48xf32, #tpu.memory_space<vmem>>, vector<400x48xf32>
    %get3A_2 = arith.constant 0 : index
    %get3A_3 = arith.constant 0 : index
    %get3A_4 = vector.load %arg2[%get3A_2, %get3A_3] : memref<400x48xf32, #tpu.memory_space<vmem>>, vector<400x48xf32>
    %add3A = arith.addf %get3A_1, %get3A_4 : vector<400x48xf32>
    %slice3A = vector.extract_strided_slice %add3A {offsets = [0, 32], sizes = [400, 1], strides = [1, 1]} : vector<400x48xf32> to vector<400x1xf32>
    %max3A = arith.constant 1.000000e-16 : f32
    %max3A_5 = vector.broadcast %max3A : f32 to vector<400x1xf32>
    %max3A_6 = arith.maximumf %slice3A, %max3A_5 : vector<400x1xf32>
    %slice3A_7 = vector.extract_strided_slice %add3A {offsets = [0, 0], sizes = [400, 32], strides = [1, 1]} : vector<400x48xf32> to vector<400x32xf32>
    %div3A = vector.broadcast %max3A_6 : vector<400x1xf32> to vector<400x32xf32>
    %div3A_8 = arith.divf %slice3A_7, %div3A : vector<400x32xf32>
    %gt3A = arith.constant 0.000000e+00 : f32
    %gt3A_9 = vector.broadcast %gt3A : f32 to vector<400x32xf32>
    %gt3A_10 = arith.cmpf ogt, %div3A_8, %gt3A_9 : vector<400x32xf32>
    %exp3A = math.exp %div3A_8 : vector<400x32xf32>
    %sub3A = arith.constant 1.000000e+00 : f32
    %sub3A_11 = vector.broadcast %sub3A : f32 to vector<400x32xf32>
    %sub3A_12 = arith.subf %exp3A, %sub3A_11 : vector<400x32xf32>
    %select_n3A = arith.select %gt3A_10, %div3A_8, %sub3A_12 : vector<400x32xi1>, vector<400x32xf32>
    %reduce_max3A = arith.constant dense<0xFF800000> : vector<400xf32>
    %reduce_max3A_13 = vector.multi_reduction <maximumf>, %select_n3A, %reduce_max3A [1] : vector<400x32xf32> to vector<400xf32>
    %broadcast_in_dim3A = vector.shape_cast %reduce_max3A_13 : vector<400xf32> to vector<400x1xf32>
    %sub3A_14 = vector.broadcast %broadcast_in_dim3A : vector<400x1xf32> to vector<400x32xf32>
    %sub3A_15 = arith.subf %select_n3A, %sub3A_14 : vector<400x32xf32>
    %exp3A_16 = math.exp %sub3A_15 : vector<400x32xf32>
    %reduce_sum3A = arith.constant dense<0.000000e+00> : vector<400xf32>
    %reduce_sum3A_17 = vector.multi_reduction <add>, %exp3A_16, %reduce_sum3A [1] : vector<400x32xf32> to vector<400xf32>
    %broadcast_in_dim3A_18 = vector.shape_cast %reduce_sum3A_17 : vector<400xf32> to vector<400x1xf32>
    %log3A = math.log %broadcast_in_dim3A_18 : vector<400x1xf32>
    %add3A_19 = arith.addf %log3A, %broadcast_in_dim3A : vector<400x1xf32>
    %sub3A_20 = vector.broadcast %add3A_19 : vector<400x1xf32> to vector<400x32xf32>
    %sub3A_21 = arith.subf %select_n3A, %sub3A_20 : vector<400x32xf32>
    %swap3A = arith.constant 0 : index
    %swap3A_22 = arith.constant 0 : index
    %swap3A_23 = vector.load %arg3[%swap3A, %swap3A_22] : memref<400x32xf32, #tpu.memory_space<vmem>>, vector<400x32xf32>
    tpu.vector_store %arg3[%swap3A, %swap3A_22], %sub3A_21 {strides = array<i32>} : memref<400x32xf32, #tpu.memory_space<vmem>>, vector<400x32xf32>,
    return
  }
  func.func @transform_0(%arg0: i32) -> (i32, i32) {
    %c0_i32 = arith.constant 0 : i32
    %c0_i32_0 = arith.constant 0 : i32
    return %arg0, %c0_i32 : i32, i32
  }
  func.func @transform_1(%arg0: i32) -> (i32, i32) {
    %c0_i32 = arith.constant 0 : i32
    %c0_i32_0 = arith.constant 0 : i32
    return %arg0, %c0_i32 : i32, i32
  }
  func.func @transform_2(%arg0: i32) -> (i32, i32) {
    %c0_i32 = arith.constant 0 : i32
    %c0_i32_0 = arith.constant 0 : i32
    return %arg0, %c0_i32 : i32, i32
  }
}

</mosaic_0001>

<sc_bundles>
// kernel: kernel.12.cloned.1.call-start
scs
__scs_entry_jumppad:
0x0: {  	(pc) =	sbr.rel $0x88, $3  }
0x1: {  	(tag) =	ssettag $0x0;
	lr =	simm.s32 $0x1  }
0x2: {  	[smem:$0x3F95] =	sst lr;
	_ =	strace $0xD0000000  }
0x3: {  	_ = 	snop  }
0x4: {  	_ = 	snop  }
0x5: {  	_ = 	snop  }
0x6: {  	_ = 	snop  }
0x7: {  	_ = 	snop  }
__scs_overlays_trampoline_lowered:
0x8: {  	[smem:$0x3FA4] =	sst s0  }
0x9: {  	[smem:$0x3FA5] =	sst s1  }
0xa: {  	[smem:$0x3FA6] =	sst s2  }
0xb: {  	[smem:$0x3FA7] =	sst s3  }
0xc: {  	[smem:$0x3FA8] =	sst s4  }
0xd: {  	[smem:$0x3FA9] =	sst s5  }
0xe: {  	[smem:$0x3FAA] =	sst s6  }
0xf: {  	[smem:$0x3FAB] =	sst s7  }
0x10: {  	[smem:$0x3FAC] =	sst s8  }
0x11: {  	[smem:$0x3FAD] =	sst s9;
	s0 =	simm.s32 @!p0 $0x0  }
0x12: {  	s1 =	sld [smem:$0x3F93];
	s0 =	simm.s32 @p0 $0x1  }
0x13: {  	[smem:$0x3FAE] =	sst s0;
	s0 =	simm.s32 @!p1 $0x0  }
0x14: {  	s2 =	sld [smem:$0x3F92];
	s0 =	simm.s32 @p1 $0x1  }
0x15: {  	[smem:$0x3FAF] =	sst s0;
	s0 =	simm.s32 @!p2 $0x0  }
0x16: {  	s3 =	sld [smem:$0x3FDB];
	s0 =	simm.s32 @p2 $0x1  }
0x17: {  	s4 =	simm.s32 $0x1BF5;
	[smem:$0x3FB1] =	sst s0  }
0x18: {  	s0 =	sld [smem:$0x3F94];
	_ =	swait.ge [sflag:s4], $0x0  }
0x19: {  	s7 =	sld [smem:$0x3F95]  }
0x1a: {  	s8 =	sadd.s32 $0xFFFFE003, lr  }
0x1b: {  	s9 =	sadd.s32 $0xFFFFFEF7, lr;
	s5 =	simm.s32 $0xFFFFFFFF;
	p2 =	slt.u32 s8, $0xFFFFF086  }
0x1c: {  	p1 =	slt.u32 s9, $0xF7A;
	s5 =	simm.s32 @!p2 $0x0  }
0x1d: {  	s5 =	simm.s32 @p1 $0x1;
	p0 =	seq.s32 s7, s2  }
0x1e: {  	s7 =	smul.u32 @!p0 $0xF7A, s2;
	p2 =	seq.s32 @!p0 s5, $0x0  }
0x1f: {  	s9 =	smul.u32 $0xF7A, s1;
	s8 =	simm.s32 @!p0 $0x1BF5;
	p2 =	por !p2, p0  }
0x20: {  	[sflag:s8] =	ssyncset.s32 @!p0 $0xFFFFF086;
	s6 =	sadd.s32 @!p0 s3, s7;
	s7 =	simm.s32 @!p0 $0x108  }
0x21: {  	s3 =	sadd.s32 s3, s9;
	s6 =	sadd.s32 @!p0 $0x88, s6;
	s7 =	simm.s32 @p2 $0x1082  }
0x22: {  	[simem:s7], [sflag:s8] =	dma.local @!p0 [hbm:s6], $0xF7A  }
0x23: {  	s9 =	sor.u32 $0xD0000000, s2;
	s6 =	simm.s32 $0x108;
	_ =	swait.ge @!p0 [sflag:s8], $0x0  }
0x24: {  	s3 =	sadd.s32 $0x88, s3;
	s6 =	simm.s32 @!p1 $0x1082;
	[sflag:s4] =	ssyncset.s32 $0xFFFFF086  }
0x25: {  	[simem:s6], [sflag:s4] =	dma.local [hbm:s3], $0xF7A  }
0x26: {  	[smem:$0x3F95] =	sst s1;
	(tag) =	ssettag s2;
	_ =	strace s9  }
0x27: {  	s1 =	sld [smem:$0x3FA5]  }
0x28: {  	s2 =	sld [smem:$0x3FA6]  }
0x29: {  	s4 =	sld [smem:$0x3FA8]  }
0x2a: {  	p0 =	seq.s32 s5, $0x0;
	s5 =	sld [smem:$0x3FA9]  }
0x2b: {  	s6 =	sld [smem:$0x3FAA]  }
0x2c: {  	s7 =	sld [smem:$0x3FAB]  }
0x2d: {  	s3 =	simm.s32 $0x108;
	s8 =	sld [smem:$0x3FAC]  }
0x2e: {  	s3 =	simm.s32 @!p0 $0x1082;
	s9 =	sld [smem:$0x3FAD]  }
0x2f: {  	lr =	sadd.s32 s0, s3;
	s0 =	sld [smem:$0x3FA4]  }
0x30: {  	s3 =	sld [smem:$0x3FA7]  }
0x31: {  	[smem:$0x3FB0] =	sst s10  }
0x32: {  	s10 =	sld [smem:$0x3FAE];
	_ =	sdelay $0x3  }
0x33: {  	p0 =	seq.s32 s10, $0x1;
	s10 =	sld [smem:$0x3FB0];
	_ =	sdelay $0x3  }
0x34: {  	[smem:$0x3FB0] =	sst s10  }
0x35: {  	s10 =	sld [smem:$0x3FAF];
	_ =	sdelay $0x3  }
0x36: {  	p1 =	seq.s32 s10, $0x1;
	s10 =	sld [smem:$0x3FB0];
	_ =	sdelay $0x3  }
0x37: {  	[smem:$0x3FB0] =	sst s10  }
0x38: {  	s10 =	sld [smem:$0x3FB1]  }
0x39: {  	_ = 	snop;
	(pc) =	sbr.ind lr, $3  }
0x3a: {  	_ = 	snop  }
0x3b: {  	_ = 	snop  }
0x3c: {  	p2 =	seq.s32 s10, $0x1;
	s10 =	sld [smem:$0x3FB0]  }
0x3d: {  	_ =	shalt  }
0x3e: {  	_ =	shalt  }
0x3f: {  	_ =	shalt  }
0x40: {  	_ =	shalt  }
0x41: {  	_ =	shalt  }
0x42: {  	_ =	shalt  }
0x43: {  	_ =	shalt  }
0x44: {  	_ =	shalt  }
0x45: {  	_ =	shalt  }
0x46: {  	_ =	shalt  }
0x47: {  	_ =	shalt  }
0x48: {  	_ =	shalt  }
0x49: {  	_ =	shalt  }
0x4a: {  	_ =	shalt  }
0x4b: {  	_ =	shalt  }
0x4c: {  	_ =	shalt  }
0x4d: {  	_ =	shalt  }
0x4e: {  	_ =	shalt  }
0x4f: {  	_ =	shalt  }
0x50: {  	_ =	shalt  }
0x51: {  	_ =	shalt  }
0x52: {  	_ =	shalt  }
0x53: {  	_ =	shalt  }
0x54: {  	_ =	shalt  }
0x55: {  	_ =	shalt  }
0x56: {  	_ =	shalt  }
0x57: {  	_ =	shalt  }
0x58: {  	_ =	shalt  }
0x59: {  	_ =	shalt  }
0x5a: {  	_ =	shalt  }
0x5b: {  	_ =	shalt  }
0x5c: {  	_ =	shalt  }
0x5d: {  	_ =	shalt  }
0x5e: {  	_ =	shalt  }
0x5f: {  	_ =	shalt  }
0x60: {  	_ =	shalt  }
0x61: {  	_ =	shalt  }
0x62: {  	_ =	shalt  }
0x63: {  	_ =	shalt  }
0x64: {  	_ =	shalt  }
0x65: {  	_ =	shalt  }
0x66: {  	_ =	shalt  }
0x67: {  	_ =	shalt  }
0x68: {  	_ =	shalt  }
0x69: {  	_ =	shalt  }
0x6a: {  	_ =	shalt  }
0x6b: {  	_ =	shalt  }
0x6c: {  	_ =	shalt  }
0x6d: {  	_ =	shalt  }
0x6e: {  	_ =	shalt  }
0x6f: {  	_ =	shalt  }
0x70: {  	_ =	shalt  }
0x71: {  	_ =	shalt  }
0x72: {  	_ =	shalt  }
0x73: {  	_ =	shalt  }
0x74: {  	_ =	shalt  }
0x75: {  	_ =	shalt  }
0x76: {  	_ =	shalt  }
0x77: {  	_ =	shalt  }
0x78: {  	_ =	shalt  }
0x79: {  	_ =	shalt  }
0x7a: {  	_ =	shalt  }
0x7b: {  	_ =	shalt  }
0x7c: {  	_ =	shalt  }
0x7d: {  	_ =	shalt  }
0x7e: {  	_ =	shalt  }
0x7f: {  	_ =	shalt  }
0x80: {  	_ =	shalt  }
0x81: {  	_ =	shalt  }
0x82: {  	_ =	shalt  }
0x83: {  	_ =	shalt  }
0x84: {  	_ =	shalt  }
0x85: {  	_ =	shalt  }
0x86: {  	_ =	shalt  }
0x87: {  	_ =	shalt  }
.Lfunc_end0:
.L_simem_size_0:
called_computation.1_lowered:
.L_overlay_start_0:
0x88: {  	s2 =	sld [smem:$0x3FD9]  }
0x89: {  	s3 =	sld [smem:$0x3FFE];
	_ =	sdelay $0x1  }
0x8a: {  	s1 =	srdreg.scid  }
0x8b: {  	s0 =	sand.u32 $0x1, s1  }
0x8c: {  	s16 =	sshll.u32 s0, $0xA;
	s2 =	sadd.s32 s3, s2  }
0x8d: {  	s2 =	sadd.s32 s2, s16  }
0x8e: {  	[smem:$0x3FBC] =	sst s2  }
0x8f: {  	_ = 	snop  }
0x90: {  	(tm) =	ssettm $0x1  }
0x91: {  	s17 =	sld [smem:$0x3FFB];
	_ =	sdelay $0x3  }
0x92: {  	_ =	strace s17  }
0x93: {  	s2 =	sld [smem:$0x3FFC];
	_ =	sdelay $0x3  }
0x94: {  	_ =	strace s2  }
0x95: {  	s2 =	sld [smem:$0x3FFD];
	_ =	sdelay $0x3  }
0x96: {  	_ =	strace s2  }
0x97: {  	_ =	strace $0x8FFFFFFF  }
0x98: {  	s18 =	sld [smem:$0x3FDB];
	_ =	sdelay $0x1  }
0x99: {  	s19 =	simm.s32 $_scs_section_size  }
0x9a: {  	s4 =	simm.s32 $_size__tile_overlayer_lowered;
	s5 =	simm.s32 $_tile_overlayer_lowered  }
0x9b: {  	s22 =	simm.s32 $0x1BFF;
	s21 =	sshll.u32 s5, $0x1;
	s2 =	sadd.s32 s19, s18  }
0x9c: {  	s6 =	simm.s32 $0x0;
	s20 =	sshll.u32 s4, $0x1;
	s4 =	sadd.s32 s21, s2  }
0x9d: {  	[timem:s6], [sflag:s22] =	dma.local [hbm:s4], s20  }
0x9e: {  	_ =	swait.ge [sflag:s22], s20  }
0x9f: {  	s3 =	ssub.s32 $0x0, s20;
	[sflag:s22] =	ssyncset.done $0x0  }
0xa0: {  	[sflag:s22] =	ssyncadd.s32 s3;
	_ =	sdelay $0x1  }
0xa1: {  	s23 =	simm.s32 $0x1B8B  }
0xa2: {  	_ =	swait.ge [sflag:s23], $0x1  }
0xa3: {  	[sflag:s23] =	ssyncset.done $0x0  }
0xa4: {  	s25 =	simm.s32 $0x1B8E;
	s24 =	sld [smem:$0x3FFE];
	[sflag:s23] =	ssyncadd.s32 $0xFFFFFFFF  }
0xa5: {  	s26 =	simm.s32 $execute0_lowered;
	[smem:$0x3FD2] =	sst s25  }
0xa6: {  	s4 =	sshll.u32 s26, $0x1;
	_ =	strace $0x80000049;
	[dreg:$0x1] =	wrdreg $0xFFFFFFFF  }
0xa7: {  	s28 =	simm.s32 $_size_execute0_lowered;
	s2 =	sadd.s32 s2, s4;
	[dreg:$0x0] =	wrdreg $0x0  }
0xa8: {  	s4 =	sshll.u32 s28, $0x1;
	[dreg:$0x2] =	wrdreg s2  }
0xa9: {  	[dreg:$0x3] =	wrdreg s4  }
0xaa: {  	[dreg:$0x4] =	wrdreg $0xC0  }
0xab: {  	_ =	task [dreg:s6], $0x5FFFF  }
0xac: {  	[dreg:$0x1] =	wrdreg $0xFFFFFFFF  }
0xad: {  	[dreg:$0x0] =	wrdreg $0x60  }
0xae: {  	[dreg:$0x2] =	wrdreg s24  }
0xaf: {  	[dreg:$0x3] =	wrdreg $0xB0000  }
0xb0: {  	[dreg:$0x4] =	wrdreg $0x9  }
0xb1: {  	_ =	task.clear_ibuf [dreg:s6], $0x5FFFF;
	_ =	strace $0x90000049  }
0xb2: {  	s29 =	simm.s32 $0x9;
	_ =	strace $0x8000004B  }
0xb3: {  	_ =	swait.ge [sflag:s29], $0x1  }
0xb4: {  	[sflag:s29] =	ssyncadd.s32 $0xFFFFFFFF  }
0xb5: {  	_ =	strace $0x9000004B  }
0xb6: {  	_ =	sfence  }
0xb7: {  	s30 =	sld [smem:$0x0];
	_ =	sdelay $0x2  }
0xb8: {  	s31 =	sshll.u32 s1, $0xD;
	s1 =	sshrl.u32 s1, $0x2  }
0xb9: {  	s3 =	sand.u32 $0x4000, s31;
	s1 =	sadd.s32 s1, s30  }
0xba: {  	s0 =	sor.u32 s3, s0;
	s1 =	sshll.u32 s1, $0x11  }
0xbb: {  	s0 =	sor.u32 s1, s0  }
0xbc: {  	s0 =	sadd.s32 $0x8F2B, s0  }
0xbd: {  	[sflag:s0] =	ssyncadd.remote.s32 $0x1  }
0xbe: {  	_ =	sfence.sel $0xFFFF  }
0xbf: {  	[dreg:$0x0] =	wrdreg $0xFFFFFFFF;
	(pc) =	sbr.abs _section_cstart, $3  }
0xc0: {  	[dreg:$0x1] =	wrdreg $0xFFFFFFFF  }
0xc1: {  	_ =	task.clear_ibuf [dreg:s6], $0x2FFFF;
	_ =	strace $0x9FFFFFFF  }
0xc2: {  	(tm) =	ssettm $0x7FFFFFFF  }
0xc3: {  	_ =	shalt  }
tec
execute0_lowered:
.L_overlay_start_1:
0x0: {  	(tag) =	ssettag $0x1  }
0x1: {  	s0 =	srdreg.scid;
	s16 =	rddreg [dreg:$0x0]  }
0x2: {  	s18 =	simm.s32 $0x5000;
	s19 =	simm.s32 $0x5;
	s20 =	simm.s32 $0x2800  }
0x3: {  	s21 =	simm.s32 $0x80;
	s23 =	simm.s32 $0x6800;
	s28 =	simm.s32 $0x9800  }
0x4: {  	s29 =	simm.s32 $0x1;
	s30 =	simm.s32 $0x2;
	s31 =	simm.s32 $0x3  }
0x5: {  	s1 =	sand.u32 $0x1, s0;
	s0 =	stileid.u32;
	s4 =	sadd.s32 $0x3200, s16  }
0x6: {  	s13 =	sadd.s32 $0x2E830, s16;
	s2 =	sshll.u32 s1, $0x4;
	s6 =	smul.u32 $0x7680, s0  }
0x7: {  	s7 =	smul.u32 $0x1DA00, s0;
	s8 =	ssub.s32 $0x2, s1;
	p3 =	seq.s32 s1, $0x1  }
0x8: {  	s1 =	simm.s32 $0x4;
	s3 =	sor.u32 s0, s2;
	s2 =	rddreg [dreg:$0x1]  }
0x9: {  	s26 =	sshrl.u32 s8, $0x1;
	p1 =	seq.s32 @p3 s0, $0xF;
	p4 =	seq.s32 @!p3 s0, $0xF  }
0xa: {  	s5 =	smul.u32 $0x500, s3;
	s3 =	simm.s32 $0x0;
	s25 =	sshrl.u32 s6, $0x3  }
0xb: {  	s7 =	sshrl.u32 s7, $0x2;
	s17 =	ssub.s32 s8, s26;
	s14 =	sadd.s32 $0x6F180, s2  }
0xc: {  	p0 =	por !p1, !p3;
	p1 =	por p1, !p3;
	p2 =	por !p4, p3  }
0xd: {  	p3 =	por p4, p3;
	[smem:$0x7FF] =	sst s3;
	s15 =	sadd.s32 s25, s16  }
0xe: {  	s9 =	sadd.s32 s7, s2;
	s17 =	smax.u32 s17, $0x1;
	s25 =	simm.s32 $0x8000  }
0xf: {  	_ =	strace $0x8000004A;
	s11 =	sadd.s32 s5, s16;
	s5 =	sadd.s32 s6, s2  }
0x10: {  	s6 =	sadd.s32 $0x1800, s9;
	s7 =	sadd.s32 $0x3000, s9;
	s8 =	sadd.s32 $0x4800, s9  }
0x11: {  	s9 =	sadd.s32 $0x6000, s9;
	s12 =	sadd.s32 $0x20A00, s15;
	s15 =	sadd.s32 $0x11E00, s15  }
0x12: {  	v0 =	vimm.f32 $0.0e+00;
	s16 =	sadd.s32 $0x1FC30, s16;
	s10 =	sadd.s32 $0x3E200, s11;
	s11 =	sadd.s32 $0x34200, s11  }
.LBB2_1:
0x13: {  	s24 =	simm.s32 $0xC0;
	s26 =	simm.s32 $0x0  }
.LBB2_2:
0x14: {  	p4 =	sne.s32 s24, $0x5F40;
	[tilespmem:s26+$0x5020] =	vst v0;
	s22 =	smov.u32 s24;
	s24 =	sadd.s32 $0xC0, s24  }
.Ltmp0:
0x15: {  	[tilespmem:s26+$0x5000] =	vst v0;
	(pc) =	sbr.rel @p4 .LBB2_2-.Ltmp0, $2  }
0x16: {  	[tilespmem:s26+$0x5010] =	vst v0;
	_ =	sdelay $0x2  }
0x17: {  	s26 =	sshra.s32 s22, $0x2  }
0x18: {  	[tilespmem:s26+$0x5020] =	vst v0  }
0x19: {  	[tilespmem:s26+$0x5000] =	vst v0  }
0x1a: {  	[tilespmem:s26+$0x5010] =	vst v0  }
0x1b: {  	[spmem:s5] =	stream.linear.scatter [tilespmem:s18], [sflag:$0x5], $0x1800, $0x38;
	[tilespmem:$0x12680] =	vst v63  }
0x1c: {  	_ =	swait.ge [sflag:s19], $0x1800  }
0x1d: {  	[sflag:s19] =	ssyncset.done $0x0  }
0x1e: {  	[sflag:s19] =	ssyncadd.s32 $0xFFFFE800  }
0x1f: {  	[spmem:s6] =	stream.linear.scatter [tilespmem:s18], [sflag:$0x5], $0x1800, $0x38;
	[tilespmem:$0x12680] =	vst v63  }
0x20: {  	_ =	swait.ge [sflag:s19], $0x1800  }
0x21: {  	[sflag:s19] =	ssyncset.done $0x0  }
0x22: {  	[sflag:s19] =	ssyncadd.s32 $0xFFFFE800  }
0x23: {  	[spmem:s7] =	stream.linear.scatter [tilespmem:s18], [sflag:$0x5], $0x1800, $0x38;
	[tilespmem:$0x12680] =	vst v63  }
0x24: {  	_ =	swait.ge [sflag:s19], $0x1800  }
0x25: {  	[sflag:s19] =	ssyncset.done $0x0  }
0x26: {  	[sflag:s19] =	ssyncadd.s32 $0xFFFFE800  }
0x27: {  	[spmem:s8] =	stream.linear.scatter [tilespmem:s18], [sflag:$0x5], $0x1800, $0x38;
	[tilespmem:$0x12680] =	vst v63  }
0x28: {  	_ =	swait.ge [sflag:s19], $0x1800  }
0x29: {  	[sflag:s19] =	ssyncset.done $0x0  }
0x2a: {  	[sflag:s19] =	ssyncadd.s32 $0xFFFFE800  }
0x2b: {  	[spmem:s9] =	stream.linear.scatter [tilespmem:s18], [sflag:$0x5], $0x1680, $0x38;
	[tilespmem:$0x12680] =	vst v63  }
0x2c: {  	_ =	swait.ge [sflag:s19], $0x1680  }
0x2d: {  	[sflag:s19] =	ssyncset.done $0x0  }
0x2e: {  	[sflag:s19] =	ssyncadd.s32 $0xFFFFE980  }
0x2f: {  	s22 =	simm.s32 $0x0;
	[bflag:$0x0] =	sbarrier.arrive $0xFFFF  }
0x30: {  	[tilespmem:s22], [sflag:$0x5] =	stream.linear.gather [hbm4b:s10+s22], $0x2800, $0x38;
	[tilespmem:$0x12680] =	vst v63  }
0x31: {  	_ =	swait.ge [sflag:s19], $0x2800  }
0x32: {  	[sflag:s19] =	ssyncset.done $0x0  }
0x33: {  	[sflag:s19] =	ssyncadd.s32 $0xFFFFD800  }
0x34: {  	[tilespmem:s20], [sflag:$0x5] =	stream.linear.gather [hbm4b:s11+s22], $0x2800, $0x38;
	[tilespmem:$0x12680] =	vst v63  }
0x35: {  	_ =	swait.ge [sflag:s19], $0x2800  }
0x36: {  	[sflag:s19] =	ssyncset.done $0x0  }
0x37: {  	[sflag:s19] =	ssyncadd.s32 $0xFFFFD800  }
0x38: {  	[tilespmem:s18], [sflag:$0x1] =	stream.indirect.gather [hbm4b:s4+s21], $0x30, s20, s21, $0xb8;
	[tilespmem:$0x12680] =	vst v63  }
0x39: {  	s24 =	simm.s32 $0x2880  }
0x3a: {  	[tilespmem:s23], [sflag:$0x2] =	stream.indirect.gather [hbm4b:s4+s21], $0x30, s24, s21, $0xb8;
	[tilespmem:$0x12680] =	vst v63  }
0x3b: {  	s26 =	simm.s32 $0x2900  }
0x3c: {  	[tilespmem:s25], [sflag:$0x3] =	stream.indirect.gather [hbm4b:s4+s21], $0x30, s26, s21, $0xb8;
	[tilespmem:$0x12680] =	vst v63  }
0x3d: {  	s24 =	simm.s32 $0x2980  }
0x3e: {  	[tilespmem:s28], [sflag:$0x4] =	stream.indirect.gather [hbm4b:s4+s21], $0x30, s24, s21, $0xb8;
	[tilespmem:$0x12680] =	vst v63  }
0x3f: {  	_ =	swait.ge [sflag:s29], $0x1800  }
0x40: {  	[sflag:s29] =	ssyncset.done $0x0  }
0x41: {  	s26 =	simm.s32 $0x0;
	[sflag:s29] =	ssyncadd.s32 $0xFFFFE800  }
0x42: {  	[spmem:s2] =	stream.indirect.scatter.add.f32 [tilespmem:s18], [sflag:$0x5], $0x30, s26, s21, $0xb8;
	[tilespmem:$0x12680] =	vst v63  }
0x43: {  	_ =	swait.ge [sflag:s19], $0x1800  }
0x44: {  	[sflag:s19] =	ssyncset.done $0x0  }
0x45: {  	s24 =	simm.s32 $0x2A00;
	[sflag:s19] =	ssyncadd.s32 $0xFFFFE800  }
0x46: {  	[tilespmem:s18], [sflag:$0x1] =	stream.indirect.gather [hbm4b:s4+s21], $0x30, s24, s21, $0xb8;
	[tilespmem:$0x12680] =	vst v63  }
0x47: {  	_ =	swait.ge [sflag:s30], $0x1800  }
0x48: {  	[sflag:s30] =	ssyncset.done $0x0  }
0x49: {  	s26 =	simm.s32 $0x80;
	[sflag:s30] =	ssyncadd.s32 $0xFFFFE800  }
0x4a: {  	[spmem:s2] =	stream.indirect.scatter.add.f32 [tilespmem:s23], [sflag:$0x5], $0x30, s26, s21, $0xb8;
	[tilespmem:$0x12680] =	vst v63  }
0x4b: {  	_ =	swait.ge [sflag:s19], $0x1800  }
0x4c: {  	[sflag:s19] =	ssyncset.done $0x0  }
0x4d: {  	s24 =	simm.s32 $0x2A80;
	[sflag:s19] =	ssyncadd.s32 $0xFFFFE800  }
0x4e: {  	[tilespmem:s23], [sflag:$0x2] =	stream.indirect.gather [hbm4b:s4+s21], $0x30, s24, s21, $0xb8;
	[tilespmem:$0x12680] =	vst v63  }
0x4f: {  	_ =	swait.ge [sflag:s31], $0x1800  }
0x50: {  	[sflag:s31] =	ssyncset.done $0x0  }
0x51: {  	s26 =	simm.s32 $0x100;
	[sflag:s31] =	ssyncadd.s32 $0xFFFFE800  }
0x52: {  	[spmem:s2] =	stream.indirect.scatter.add.f32 [tilespmem:s25], [sflag:$0x5], $0x30, s26, s21, $0xb8;
	[tilespmem:$0x12680] =	vst v63  }
0x53: {  	_ =	swait.ge [sflag:s19], $0x1800  }
0x54: {  	[sflag:s19] =	ssyncset.done $0x0  }
0x55: {  	s24 =	simm.s32 $0x2B00;
	[sflag:s19] =	ssyncadd.s32 $0xFFFFE800  }
0x56: {  	[tilespmem:s25], [sflag:$0x3] =	stream.indirect.gather [hbm4b:s4+s21], $0x30, s24, s21, $0xb8;
	[tilespmem:$0x12680] =	vst v63  }
0x57: {  	_ =	swait.ge [sflag:s1], $0x1800  }
0x58: {  	[sflag:s1] =	ssyncset.done $0x0  }
0x59: {  	s26 =	simm.s32 $0x180;
	[sflag:s1] =	ssyncadd.s32 $0xFFFFE800  }
0x5a: {  	[spmem:s2] =	stream.indirect.scatter.add.f32 [tilespmem:s28], [sflag:$0x5], $0x30, s26, s21, $0xb8;
	[tilespmem:$0x12680] =	vst v63  }
0x5b: {  	_ =	swait.ge [sflag:s19], $0x1800  }
0x5c: {  	[sflag:s19] =	ssyncset.done $0x0  }
0x5d: {  	s24 =	simm.s32 $0x800;
	s26 =	simm.s32 $0x2B80;
	[sflag:s19] =	ssyncadd.s32 $0xFFFFE800  }
.LBB2_4:
0x5e: {  	[tilespmem:s28], [sflag:$0x4] =	stream.indirect.gather [hbm4b:s4+s21], $0x30, s26, s21, $0xb8;
	[tilespmem:$0x12680] =	vst v63  }
0x5f: {  	s22 =	smov.u32 s24  }
0x60: {  	p4 =	sne.s32 s24, $0x9000;
	s24 =	sadd.s32 $0x800, s24;
	_ =	swait.ge [sflag:s29], $0x1800  }
0x61: {  	[sflag:s29] =	ssyncset.done $0x0  }
0x62: {  	s26 =	sshra.s32 s22, $0x2;
	[sflag:s29] =	ssyncadd.s32 $0xFFFFE800  }
0x63: {  	[spmem:s2] =	stream.indirect.scatter.add.f32 [tilespmem:s18], [sflag:$0x5], $0x30, s26, s21, $0xb8;
	[tilespmem:$0x12680] =	vst v63  }
0x64: {  	_ =	swait.ge [sflag:s19], $0x1800  }
0x65: {  	[sflag:s19] =	ssyncset.done $0x0  }
0x66: {  	s22 =	sadd.s32 $0x2A00, s26;
	[sflag:s19] =	ssyncadd.s32 $0xFFFFE800  }
0x67: {  	[tilespmem:s18], [sflag:$0x1] =	stream.indirect.gather [hbm4b:s4+s21], $0x30, s22, s21, $0xb8;
	[tilespmem:$0x12680] =	vst v63  }
0x68: {  	_ =	swait.ge [sflag:s30], $0x1800  }
0x69: {  	[sflag:s30] =	ssyncset.done $0x0  }
0x6a: {  	s22 =	sadd.s32 $0x80, s26;
	[sflag:s30] =	ssyncadd.s32 $0xFFFFE800  }
0x6b: {  	[spmem:s2] =	stream.indirect.scatter.add.f32 [tilespmem:s23], [sflag:$0x5], $0x30, s22, s21, $0xb8;
	[tilespmem:$0x12680] =	vst v63  }
0x6c: {  	_ =	swait.ge [sflag:s19], $0x1800  }
0x6d: {  	[sflag:s19] =	ssyncset.done $0x0  }
0x6e: {  	s22 =	sadd.s32 $0x2A80, s26;
	[sflag:s19] =	ssyncadd.s32 $0xFFFFE800  }
0x6f: {  	[tilespmem:s23], [sflag:$0x2] =	stream.indirect.gather [hbm4b:s4+s21], $0x30, s22, s21, $0xb8;
	[tilespmem:$0x12680] =	vst v63  }
0x70: {  	_ =	swait.ge [sflag:s31], $0x1800  }
0x71: {  	[sflag:s31] =	ssyncset.done $0x0  }
0x72: {  	s22 =	sadd.s32 $0x100, s26;
	[sflag:s31] =	ssyncadd.s32 $0xFFFFE800  }
0x73: {  	[spmem:s2] =	stream.indirect.scatter.add.f32 [tilespmem:s25], [sflag:$0x5], $0x30, s22, s21, $0xb8;
	[tilespmem:$0x12680] =	vst v63  }
0x74: {  	_ =	swait.ge [sflag:s19], $0x1800  }
0x75: {  	[sflag:s19] =	ssyncset.done $0x0  }
0x76: {  	s22 =	sadd.s32 $0x2B00, s26;
	[sflag:s19] =	ssyncadd.s32 $0xFFFFE800  }
0x77: {  	[tilespmem:s25], [sflag:$0x3] =	stream.indirect.gather [hbm4b:s4+s21], $0x30, s22, s21, $0xb8;
	[tilespmem:$0x12680] =	vst v63  }
0x78: {  	_ =	swait.ge [sflag:s1], $0x1800  }
0x79: {  	[sflag:s1] =	ssyncset.done $0x0  }
.Ltmp1:
0x7a: {  	s22 =	sadd.s32 $0x180, s26;
	[sflag:s1] =	ssyncadd.s32 $0xFFFFE800;
	(pc) =	sbr.rel @p4 .LBB2_4-.Ltmp1, $4  }
0x7b: {  	[spmem:s2] =	stream.indirect.scatter.add.f32 [tilespmem:s28], [sflag:$0x5], $0x30, s22, s21, $0xb8;
	[tilespmem:$0x12680] =	vst v63  }
0x7c: {  	_ =	swait.ge [sflag:s19], $0x1800  }
0x7d: {  	[sflag:s19] =	ssyncset.done $0x0  }
0x7e: {  	s26 =	sadd.s32 $0x2B80, s26;
	[sflag:s19] =	ssyncadd.s32 $0xFFFFE800  }
0x7f: {  	[tilespmem:s28], [sflag:$0x4] =	stream.indirect.gather [hbm4b:s4+s21], $0x30, s26, s21, $0xb8;
	[tilespmem:$0x12680] =	vst v63  }
0x80: {  	_ =	swait.ge [sflag:s29], $0x1800  }
0x81: {  	[sflag:s29] =	ssyncset.done $0x0  }
0x82: {  	s22 =	simm.s32 $0x2600;
	[sflag:s29] =	ssyncadd.s32 $0xFFFFE800  }
0x83: {  	[spmem:s2] =	stream.indirect.scatter.add.f32 [tilespmem:s18], [sflag:$0x5], $0x30, s22, s21, $0xb8;
	[tilespmem:$0x12680] =	vst v63  }
0x84: {  	_ =	swait.ge [sflag:s19], $0x1800  }
0x85: {  	[sflag:s19] =	ssyncset.done $0x0  }
0x86: {  	[sflag:s19] =	ssyncadd.s32 $0xFFFFE800  }
0x87: {  	_ =	swait.ge [sflag:s30], $0x1800  }
0x88: {  	[sflag:s30] =	ssyncset.done $0x0  }
0x89: {  	s26 =	simm.s32 $0x2680;
	[sflag:s30] =	ssyncadd.s32 $0xFFFFE800  }
0x8a: {  	[spmem:s2] =	stream.indirect.scatter.add.f32 [tilespmem:s23], [sflag:$0x5], $0x30, s26, s21, $0xb8;
	[tilespmem:$0x12680] =	vst v63  }
0x8b: {  	_ =	swait.ge [sflag:s19], $0x1800  }
0x8c: {  	[sflag:s19] =	ssyncset.done $0x0  }
0x8d: {  	[sflag:s19] =	ssyncadd.s32 $0xFFFFE800  }
0x8e: {  	_ =	swait.ge [sflag:s31], $0x1800  }
0x8f: {  	[sflag:s31] =	ssyncset.done $0x0  }
0x90: {  	s24 =	simm.s32 $0x2700;
	[sflag:s31] =	ssyncadd.s32 $0xFFFFE800  }
0x91: {  	[spmem:s2] =	stream.indirect.scatter.add.f32 [tilespmem:s25], [sflag:$0x5], $0x30, s24, s21, $0xb8;
	[tilespmem:$0x12680] =	vst v63  }
0x92: {  	_ =	swait.ge [sflag:s19], $0x1800  }
0x93: {  	[sflag:s19] =	ssyncset.done $0x0  }
0x94: {  	[sflag:s19] =	ssyncadd.s32 $0xFFFFE800  }
0x95: {  	_ =	swait.ge [sflag:s1], $0x1800  }
0x96: {  	[sflag:s1] =	ssyncset.done $0x0  }
0x97: {  	s26 =	simm.s32 $0x2780;
	[sflag:s1] =	ssyncadd.s32 $0xFFFFE800  }
0x98: {  	[spmem:s2] =	stream.indirect.scatter.add.f32 [tilespmem:s28], [sflag:$0x5], $0x30, s26, s21, $0xb8;
	[tilespmem:$0x12680] =	vst v63  }
0x99: {  	_ =	swait.ge [sflag:s19], $0x1800  }
0x9a: {  	[sflag:s19] =	ssyncset.done $0x0  }
0x9b: {  	[sflag:s19] =	ssyncadd.s32 $0xFFFFE800  }
0x9c: {  	s22 =	sshrl.u32 @!p0 s14, $0x3;
	s24 =	simm.s32 @!p0 $0x1FC5;
	[bflag:$0x0] =	sbarrier.arrive $0xFFFF  }
0x9d: {  	[hbm:s16], [sflag:s24] =	dma.local @!p0 [spmem:s22], $0xC30  }
0x9e: {  	s22 =	simm.s32 @!p0 $0x5  }
0x9f: {  	_ =	swait.ge @!p0 [sflag:s22], $0xC30  }
0xa0: {  	s24 =	sshll.u32 @!p1 s0, $0x6;
	[sflag:s22] =	ssyncset.done @!p0 $0x0  }
0xa1: {  	[sflag:s22] =	ssyncadd.s32 @!p0 $0xFFFFF3D0;
	s22 =	sor.u32 @!p1 $0x1C05, s24;
	s24 =	sshrl.u32 @!p1 s5, $0x3  }
0xa2: {  	[hbm:s15], [sflag:s22] =	dma.local @!p1 [spmem:s24], $0xED0  }
0xa3: {  	s22 =	simm.s32 @!p1 $0x5  }
0xa4: {  	_ =	swait.ge @!p1 [sflag:s22], $0xED0  }
0xa5: {  	[sflag:s22] =	ssyncset.done @!p1 $0x0  }
0xa6: {  	s24 =	simm.s32 @!p2 $0x1FC5;
	[sflag:s22] =	ssyncadd.s32 @!p1 $0xFFFFF130;
	s22 =	sshrl.u32 @!p2 s14, $0x3  }
0xa7: {  	[hbm:s13], [sflag:s24] =	dma.local @!p2 [spmem:s22], $0xC30  }
0xa8: {  	s22 =	simm.s32 @!p2 $0x5  }
0xa9: {  	s3 =	sadd.s32 $0x1, s3;
	_ =	swait.ge @!p2 [sflag:s22], $0xC30  }
0xaa: {  	p4 =	sne.s32 s3, s17;
	s24 =	sshll.u32 @!p3 s0, $0x6;
	[sflag:s22] =	ssyncset.done @!p2 $0x0  }
0xab: {  	[sflag:s22] =	ssyncadd.s32 @!p2 $0xFFFFF3D0;
	s22 =	sor.u32 @!p3 $0x1C05, s24;
	s24 =	sshrl.u32 @!p3 s5, $0x3  }
0xac: {  	[hbm:s12], [sflag:s22] =	dma.local @!p3 [spmem:s24], $0xED0  }
.Ltmp2:
0xad: {  	_ = 	snop;
	(pc) =	sbr.rel @p4 .LBB2_1-.Ltmp2, $4  }
0xae: {  	s22 =	simm.s32 @!p3 $0x5  }
0xaf: {  	_ =	swait.ge @!p3 [sflag:s22], $0xED0  }
0xb0: {  	[sflag:s22] =	ssyncset.done @!p3 $0x0  }
0xb1: {  	[sflag:s22] =	ssyncadd.s32 @!p3 $0xFFFFF130  }
0xb2: {  	_ =	sfence.sel $0x180000  }
0xb3: {  	[bflag:$0x0] =	sbarrier.arrive $0xFFFF  }
0xb4: {  	_ =	strace $0x9000004A  }
0xb5: {  	[bflag:$0x2] =	sbarrier.arrive $0xFFFF  }
0xb6: {  	p0 =	sne.s32 s0, $0x0;
	s0 =	rddreg [dreg:$0x2]  }
0xb7: {  	s0 =	sadd.s32 @!p0 $0x100000, s0  }
0xb8: {  	[sflag:s0] =	ssyncadd.tile.s32 @!p0 $0x1;
	_ =	shalt  }
.Lfunc_end2:
_tile_overlayer_lowered:
.L_overlay_start_2:
0xb9: {  	(tag) =	ssettag $0x2  }
0xba: {  	s0 =	rddreg [dreg:$0x0];
	s2 =	stileid.u32  }
0xbb: {  	s1 =	rddreg [dreg:$0x1];
	p0 =	sne.s32 s2, $0x0  }
0xbc: {  	s3 =	rddreg [dreg:$0x2];
	[bflag:$0x3] =	sbarrier.arrive $0xFFFF;
	s2 =	simm.s32 @!p0 $0x1C05  }
0xbd: {  	[timem:s3], [sflag:s2] =	dma.local @!p0 [hbm:s0], s1  }
0xbe: {  	s0 =	simm.s32 @!p0 $0x5  }
0xbf: {  	_ =	swait.ge @!p0 [sflag:s0], s1  }
0xc0: {  	s1 =	ssub.s32 @!p0 $0x0, s1;
	[sflag:s0] =	ssyncset.done @!p0 $0x0  }
0xc1: {  	[sflag:s0] =	ssyncadd.s32 @!p0 s1  }
0xc2: {  	[bflag:$0x3] =	sbarrier.arrive $0xFFFF  }
0xc3: {  	_ =	shalt  }

// kernel: kernel.9.cloned.1.call-start
scs
__scs_entry_jumppad:
0x0: {  	(pc) =	sbr.rel $0x88, $3  }
0x1: {  	(tag) =	ssettag $0x0;
	lr =	simm.s32 $0x1  }
0x2: {  	[smem:$0x3F95] =	sst lr;
	_ =	strace $0xD0000000  }
0x3: {  	_ = 	snop  }
0x4: {  	_ = 	snop  }
0x5: {  	_ = 	snop  }
0x6: {  	_ = 	snop  }
0x7: {  	_ = 	snop  }
__scs_overlays_trampoline_lowered:
0x8: {  	[smem:$0x3FA4] =	sst s0  }
0x9: {  	[smem:$0x3FA5] =	sst s1  }
0xa: {  	[smem:$0x3FA6] =	sst s2  }
0xb: {  	[smem:$0x3FA7] =	sst s3  }
0xc: {  	[smem:$0x3FA8] =	sst s4  }
0xd: {  	[smem:$0x3FA9] =	sst s5  }
0xe: {  	[smem:$0x3FAA] =	sst s6  }
0xf: {  	[smem:$0x3FAB] =	sst s7  }
0x10: {  	[smem:$0x3FAC] =	sst s8  }
0x11: {  	[smem:$0x3FAD] =	sst s9;
	s0 =	simm.s32 @!p0 $0x0  }
0x12: {  	s1 =	sld [smem:$0x3F93];
	s0 =	simm.s32 @p0 $0x1  }
0x13: {  	[smem:$0x3FAE] =	sst s0;
	s0 =	simm.s32 @!p1 $0x0  }
0x14: {  	s2 =	sld [smem:$0x3F92];
	s0 =	simm.s32 @p1 $0x1  }
0x15: {  	[smem:$0x3FAF] =	sst s0;
	s0 =	simm.s32 @!p2 $0x0  }
0x16: {  	s3 =	sld [smem:$0x3FDB];
	s0 =	simm.s32 @p2 $0x1  }
0x17: {  	s4 =	simm.s32 $0x1BF5;
	[smem:$0x3FB1] =	sst s0  }
0x18: {  	s0 =	sld [smem:$0x3F94];
	_ =	swait.ge [sflag:s4], $0x0  }
0x19: {  	s7 =	sld [smem:$0x3F95]  }
0x1a: {  	s8 =	sadd.s32 $0xFFFFE003, lr  }
0x1b: {  	s9 =	sadd.s32 $0xFFFFFEF7, lr;
	s5 =	simm.s32 $0xFFFFFFFF;
	p2 =	slt.u32 s8, $0xFFFFF086  }
0x1c: {  	p1 =	slt.u32 s9, $0xF7A;
	s5 =	simm.s32 @!p2 $0x0  }
0x1d: {  	s5 =	simm.s32 @p1 $0x1;
	p0 =	seq.s32 s7, s2  }
0x1e: {  	s7 =	smul.u32 @!p0 $0xF7A, s2;
	p2 =	seq.s32 @!p0 s5, $0x0  }
0x1f: {  	s9 =	smul.u32 $0xF7A, s1;
	s8 =	simm.s32 @!p0 $0x1BF5;
	p2 =	por !p2, p0  }
0x20: {  	[sflag:s8] =	ssyncset.s32 @!p0 $0xFFFFF086;
	s6 =	sadd.s32 @!p0 s3, s7;
	s7 =	simm.s32 @!p0 $0x108  }
0x21: {  	s3 =	sadd.s32 s3, s9;
	s6 =	sadd.s32 @!p0 $0x88, s6;
	s7 =	simm.s32 @p2 $0x1082  }
0x22: {  	[simem:s7], [sflag:s8] =	dma.local @!p0 [hbm:s6], $0xF7A  }
0x23: {  	s9 =	sor.u32 $0xD0000000, s2;
	s6 =	simm.s32 $0x108;
	_ =	swait.ge @!p0 [sflag:s8], $0x0  }
0x24: {  	s3 =	sadd.s32 $0x88, s3;
	s6 =	simm.s32 @!p1 $0x1082;
	[sflag:s4] =	ssyncset.s32 $0xFFFFF086  }
0x25: {  	[simem:s6], [sflag:s4] =	dma.local [hbm:s3], $0xF7A  }
0x26: {  	[smem:$0x3F95] =	sst s1;
	(tag) =	ssettag s2;
	_ =	strace s9  }
0x27: {  	s1 =	sld [smem:$0x3FA5]  }
0x28: {  	s2 =	sld [smem:$0x3FA6]  }
0x29: {  	s4 =	sld [smem:$0x3FA8]  }
0x2a: {  	p0 =	seq.s32 s5, $0x0;
	s5 =	sld [smem:$0x3FA9]  }
0x2b: {  	s6 =	sld [smem:$0x3FAA]  }
0x2c: {  	s7 =	sld [smem:$0x3FAB]  }
0x2d: {  	s3 =	simm.s32 $0x108;
	s8 =	sld [smem:$0x3FAC]  }
0x2e: {  	s3 =	simm.s32 @!p0 $0x1082;
	s9 =	sld [smem:$0x3FAD]  }
0x2f: {  	lr =	sadd.s32 s0, s3;
	s0 =	sld [smem:$0x3FA4]  }
0x30: {  	s3 =	sld [smem:$0x3FA7]  }
0x31: {  	[smem:$0x3FB0] =	sst s10  }
0x32: {  	s10 =	sld [smem:$0x3FAE];
	_ =	sdelay $0x3  }
0x33: {  	p0 =	seq.s32 s10, $0x1;
	s10 =	sld [smem:$0x3FB0];
	_ =	sdelay $0x3  }
0x34: {  	[smem:$0x3FB0] =	sst s10  }
0x35: {  	s10 =	sld [smem:$0x3FAF];
	_ =	sdelay $0x3  }
0x36: {  	p1 =	seq.s32 s10, $0x1;
	s10 =	sld [smem:$0x3FB0];
	_ =	sdelay $0x3  }
0x37: {  	[smem:$0x3FB0] =	sst s10  }
0x38: {  	s10 =	sld [smem:$0x3FB1]  }
0x39: {  	_ = 	snop;
	(pc) =	sbr.ind lr, $3  }
0x3a: {  	_ = 	snop  }
0x3b: {  	_ = 	snop  }
0x3c: {  	p2 =	seq.s32 s10, $0x1;
	s10 =	sld [smem:$0x3FB0]  }
0x3d: {  	_ =	shalt  }
0x3e: {  	_ =	shalt  }
0x3f: {  	_ =	shalt  }
0x40: {  	_ =	shalt  }
0x41: {  	_ =	shalt  }
0x42: {  	_ =	shalt  }
0x43: {  	_ =	shalt  }
0x44: {  	_ =	shalt  }
0x45: {  	_ =	shalt  }
0x46: {  	_ =	shalt  }
0x47: {  	_ =	shalt  }
0x48: {  	_ =	shalt  }
0x49: {  	_ =	shalt  }
0x4a: {  	_ =	shalt  }
0x4b: {  	_ =	shalt  }
0x4c: {  	_ =	shalt  }
0x4d: {  	_ =	shalt  }
0x4e: {  	_ =	shalt  }
0x4f: {  	_ =	shalt  }
0x50: {  	_ =	shalt  }
0x51: {  	_ =	shalt  }
0x52: {  	_ =	shalt  }
0x53: {  	_ =	shalt  }
0x54: {  	_ =	shalt  }
0x55: {  	_ =	shalt  }
0x56: {  	_ =	shalt  }
0x57: {  	_ =	shalt  }
0x58: {  	_ =	shalt  }
0x59: {  	_ =	shalt  }
0x5a: {  	_ =	shalt  }
0x5b: {  	_ =	shalt  }
0x5c: {  	_ =	shalt  }
0x5d: {  	_ =	shalt  }
0x5e: {  	_ =	shalt  }
0x5f: {  	_ =	shalt  }
0x60: {  	_ =	shalt  }
0x61: {  	_ =	shalt  }
0x62: {  	_ =	shalt  }
0x63: {  	_ =	shalt  }
0x64: {  	_ =	shalt  }
0x65: {  	_ =	shalt  }
0x66: {  	_ =	shalt  }
0x67: {  	_ =	shalt  }
0x68: {  	_ =	shalt  }
0x69: {  	_ =	shalt  }
0x6a: {  	_ =	shalt  }
0x6b: {  	_ =	shalt  }
0x6c: {  	_ =	shalt  }
0x6d: {  	_ =	shalt  }
0x6e: {  	_ =	shalt  }
0x6f: {  	_ =	shalt  }
0x70: {  	_ =	shalt  }
0x71: {  	_ =	shalt  }
0x72: {  	_ =	shalt  }
0x73: {  	_ =	shalt  }
0x74: {  	_ =	shalt  }
0x75: {  	_ =	shalt  }
0x76: {  	_ =	shalt  }
0x77: {  	_ =	shalt  }
0x78: {  	_ =	shalt  }
0x79: {  	_ =	shalt  }
0x7a: {  	_ =	shalt  }
0x7b: {  	_ =	shalt  }
0x7c: {  	_ =	shalt  }
0x7d: {  	_ =	shalt  }
0x7e: {  	_ =	shalt  }
0x7f: {  	_ =	shalt  }
0x80: {  	_ =	shalt  }
0x81: {  	_ =	shalt  }
0x82: {  	_ =	shalt  }
0x83: {  	_ =	shalt  }
0x84: {  	_ =	shalt  }
0x85: {  	_ =	shalt  }
0x86: {  	_ =	shalt  }
0x87: {  	_ =	shalt  }
.Lfunc_end0:
.L_simem_size_0:
called_computation_lowered:
.L_overlay_start_0:
0x88: {  	s2 =	sld [smem:$0x3FD9]  }
0x89: {  	s3 =	sld [smem:$0x3FFE];
	_ =	sdelay $0x1  }
0x8a: {  	s1 =	srdreg.scid  }
0x8b: {  	s0 =	sand.u32 $0x1, s1  }
0x8c: {  	s16 =	sshll.u32 s0, $0xA;
	s2 =	sadd.s32 s3, s2  }
0x8d: {  	s2 =	sadd.s32 s2, s16  }
0x8e: {  	[smem:$0x3FBC] =	sst s2  }
0x8f: {  	_ = 	snop  }
0x90: {  	(tm) =	ssettm $0x1  }
0x91: {  	s17 =	sld [smem:$0x3FFB];
	_ =	sdelay $0x3  }
0x92: {  	_ =	strace s17  }
0x93: {  	s2 =	sld [smem:$0x3FFC];
	_ =	sdelay $0x3  }
0x94: {  	_ =	strace s2  }
0x95: {  	s2 =	sld [smem:$0x3FFD];
	_ =	sdelay $0x3  }
0x96: {  	_ =	strace s2  }
0x97: {  	_ =	strace $0x8FFFFFFF  }
0x98: {  	s18 =	sld [smem:$0x3FDB];
	_ =	sdelay $0x1  }
0x99: {  	s19 =	simm.s32 $_scs_section_size  }
0x9a: {  	s4 =	simm.s32 $_size__tile_overlayer_lowered;
	s5 =	simm.s32 $_tile_overlayer_lowered  }
0x9b: {  	s22 =	simm.s32 $0x1BFF;
	s21 =	sshll.u32 s5, $0x1;
	s2 =	sadd.s32 s19, s18  }
0x9c: {  	s6 =	simm.s32 $0x0;
	s20 =	sshll.u32 s4, $0x1;
	s4 =	sadd.s32 s21, s2  }
0x9d: {  	[timem:s6], [sflag:s22] =	dma.local [hbm:s4], s20  }
0x9e: {  	_ =	swait.ge [sflag:s22], s20  }
0x9f: {  	s3 =	ssub.s32 $0x0, s20;
	[sflag:s22] =	ssyncset.done $0x0  }
0xa0: {  	[sflag:s22] =	ssyncadd.s32 s3;
	_ =	sdelay $0x1  }
0xa1: {  	s23 =	simm.s32 $0x1B8B  }
0xa2: {  	_ =	swait.ge [sflag:s23], $0x1  }
0xa3: {  	[sflag:s23] =	ssyncset.done $0x0  }
0xa4: {  	s25 =	simm.s32 $0x1B8E;
	s24 =	sld [smem:$0x3FFE];
	[sflag:s23] =	ssyncadd.s32 $0xFFFFFFFF  }
0xa5: {  	s26 =	simm.s32 $execute0_lowered;
	[smem:$0x3FD2] =	sst s25  }
0xa6: {  	s4 =	sshll.u32 s26, $0x1;
	_ =	strace $0x80000046;
	[dreg:$0x1] =	wrdreg $0xFFFFFFFF  }
0xa7: {  	s28 =	simm.s32 $_size_execute0_lowered;
	s2 =	sadd.s32 s2, s4;
	[dreg:$0x0] =	wrdreg $0x0  }
0xa8: {  	s4 =	sshll.u32 s28, $0x1;
	[dreg:$0x2] =	wrdreg s2  }
0xa9: {  	[dreg:$0x3] =	wrdreg s4  }
0xaa: {  	[dreg:$0x4] =	wrdreg $0xC0  }
0xab: {  	_ =	task [dreg:s6], $0x5FFFF  }
0xac: {  	[dreg:$0x1] =	wrdreg $0xFFFFFFFF  }
0xad: {  	[dreg:$0x0] =	wrdreg $0x60  }
0xae: {  	[dreg:$0x2] =	wrdreg s24  }
0xaf: {  	[dreg:$0x3] =	wrdreg $0xF0000  }
0xb0: {  	[dreg:$0x4] =	wrdreg $0x9  }
0xb1: {  	_ =	task.clear_ibuf [dreg:s6], $0x5FFFF;
	_ =	strace $0x90000046  }
0xb2: {  	s29 =	simm.s32 $0x9;
	_ =	strace $0x80000048  }
0xb3: {  	_ =	swait.ge [sflag:s29], $0x1  }
0xb4: {  	[sflag:s29] =	ssyncadd.s32 $0xFFFFFFFF  }
0xb5: {  	_ =	strace $0x90000048  }
0xb6: {  	_ =	sfence  }
0xb7: {  	s30 =	sld [smem:$0x0];
	_ =	sdelay $0x2  }
0xb8: {  	s31 =	sshll.u32 s1, $0xD;
	s1 =	sshrl.u32 s1, $0x2  }
0xb9: {  	s3 =	sand.u32 $0x4000, s31;
	s1 =	sadd.s32 s1, s30  }
0xba: {  	s0 =	sor.u32 s3, s0;
	s1 =	sshll.u32 s1, $0x11  }
0xbb: {  	s0 =	sor.u32 s1, s0  }
0xbc: {  	s0 =	sadd.s32 $0x8F2B, s0  }
0xbd: {  	[sflag:s0] =	ssyncadd.remote.s32 $0x1  }
0xbe: {  	_ =	sfence.sel $0xFFFF  }
0xbf: {  	[dreg:$0x0] =	wrdreg $0xFFFFFFFF;
	(pc) =	sbr.abs _section_cstart, $3  }
0xc0: {  	[dreg:$0x1] =	wrdreg $0xFFFFFFFF  }
0xc1: {  	_ =	task.clear_ibuf [dreg:s6], $0x2FFFF;
	_ =	strace $0x9FFFFFFF  }
0xc2: {  	(tm) =	ssettm $0x7FFFFFFF  }
0xc3: {  	_ =	shalt  }
tec
execute0_lowered:
.L_overlay_start_1:
0x0: {  	(tag) =	ssettag $0x1  }
0x1: {  	s0 =	rddreg [dreg:$0x0]  }
0x2: {  	s2 =	rddreg [dreg:$0x1]  }
0x3: {  	s3 =	simm.s32 $0x0;
	s1 =	stileid.u32;
	s8 =	srdreg.scid  }
0x4: {  	s19 =	simm.s32 $0xA000;
	s20 =	simm.s32 $0x3;
	s21 =	simm.s32 $0x5000  }
0x5: {  	s22 =	simm.s32 $0x80;
	s24 =	simm.s32 $0xC800;
	s28 =	simm.s32 $0x4F00  }
0x6: {  	s29 =	simm.s32 $0x4F80;
	s30 =	simm.s32 $0x0;
	s6 =	smul.u32 $0xA00, s1  }
0x7: {  	[smem:$0x7FF] =	sst s3;
	s7 =	smul.u32 $0xC580, s1;
	s4 =	sadd.s32 $0x3200, s0  }
0x8: {  	s9 =	smul.u32 $0x31600, s1;
	s5 =	sadd.s32 $0x1BA00, s0;
	s13 =	sand.u32 $0x1, s8  }
0x9: {  	s31 =	sadd.s32 $0x5F450, s0;
	s17 =	sadd.s32 $0x77C50, s0;
	p1 =	seq.s32 s1, $0xF  }
0xa: {  	_ =	strace $0x80000047;
	s8 =	ssub.s32 $0x2, s13;
	[dreg:$0x4] =	wrdreg s31  }
0xb: {  	p0 =	sne.s32 s13, $0x0;
	s12 =	sadd.s32 s6, s0;
	s25 =	sshrl.u32 s7, $0x3  }
0xc: {  	s9 =	sshrl.u32 s9, $0x2;
	s26 =	sshrl.u32 s8, $0x1;
	s6 =	sadd.s32 s7, s2  }
0xd: {  	s14 =	sadd.s32 s25, s0;
	s10 =	sadd.s32 s9, s2;
	s18 =	ssub.s32 s8, s26  }
.Ltmp0:
0xe: {  	s11 =	sadd.s32 $0x3E200, s12;
	s12 =	sadd.s32 $0x34200, s12;
	(pc) =	sbr.rel .LBB2_1-.Ltmp0, $4  }
0xf: {  	s25 =	simm.s32 $0x1;
	s26 =	simm.s32 $0x2;
	s7 =	sadd.s32 $0x2800, s10  }
0x10: {  	s8 =	sadd.s32 $0x5000, s10;
	s9 =	sadd.s32 $0x7800, s10;
	s15 =	sadd.s32 $0x48200, s14  }
0x11: {  	s10 =	sadd.s32 $0xA000, s10;
	s14 =	sadd.s32 $0x60A00, s14;
	[dreg:$0x3] =	wrdreg s15  }
0x12: {  	v0 =	vimm.f32 $0.0e+00;
	s18 =	smax.u32 s18, $0x1;
	s15 =	sadd.s32 $0xB9280, s2;
	[dreg:$0x5] =	wrdreg s14  }
.LBB2_9:
0x13: {  	[tilespmem:s24], [sflag:$0x2] =	stream.indirect.gather [hbm4b:s5+s22], $0x50, s23, s22, $0xb8;
	[tilespmem:$0x1B580] =	vst v63  }
0x14: {  	_ =	swait.ge [sflag:s25], $0x2800  }
0x15: {  	[sflag:s25] =	ssyncset.done $0x0  }
0x16: {  	[sflag:s25] =	ssyncadd.s32 $0xFFFFD800  }
0x17: {  	[spmem:s2] =	stream.indirect.scatter.add.f32 [tilespmem:s19], [sflag:$0x3], $0x50, s28, s22, $0xb8;
	[tilespmem:$0x1B580] =	vst v63  }
0x18: {  	_ =	swait.ge [sflag:s20], $0x2800  }
0x19: {  	[sflag:s20] =	ssyncset.done $0x0  }
0x1a: {  	[sflag:s20] =	ssyncadd.s32 $0xFFFFD800  }
0x1b: {  	_ =	swait.ge [sflag:s26], $0x2800  }
0x1c: {  	[sflag:s26] =	ssyncset.done $0x0  }
0x1d: {  	[sflag:s26] =	ssyncadd.s32 $0xFFFFD800  }
0x1e: {  	[spmem:s2] =	stream.indirect.scatter.add.f32 [tilespmem:s24], [sflag:$0x3], $0x50, s29, s22, $0xb8;
	[tilespmem:$0x1B580] =	vst v63  }
0x1f: {  	_ =	swait.ge [sflag:s20], $0x2800  }
0x20: {  	[sflag:s20] =	ssyncset.done $0x0  }
0x21: {  	[sflag:s20] =	ssyncadd.s32 $0xFFFFD800  }
0x22: {  	[bflag:$0x0] =	sbarrier.arrive $0xFFFF  }
0x23: {  	s14 =	simm.s32 @p1 $0x1FC3;
	s16 =	rddreg [dreg:$0x4]  }
0x24: {  	[hbm:s16], [sflag:s14] =	dma.local @p1 [spmem:s13], $0x1450  }
0x25: {  	s13 =	simm.s32 @p1 $0x3  }
0x26: {  	_ =	swait.ge @p1 [sflag:s13], $0x1450  }
0x27: {  	[sflag:s13] =	ssyncset.done @p1 $0x0  }
0x28: {  	[sflag:s13] =	ssyncadd.s32 @p1 $0xFFFFEBB0;
	s13 =	rddreg [dreg:$0x3]  }
0x29: {  	[hbm:s13], [sflag:s0] =	dma.local @!p1 [spmem:s31], $0x18B0  }
0x2a: {  	s0 =	simm.s32 @!p1 $0x3  }
0x2b: {  	_ =	swait.ge @!p1 [sflag:s0], $0x18B0  }
0x2c: {  	[sflag:s0] =	ssyncset.done @!p1 $0x0  }
0x2d: {  	[sflag:s0] =	ssyncadd.s32 @!p1 $0xFFFFE750  }
.LBB2_10:
0x2e: {  	s30 =	sadd.s32 $0x1, s30  }
0x2f: {  	p2 =	sne.s32 s30, s18  }
.Ltmp1:
0x30: {  	_ = 	snop;
	(pc) =	sbr.rel @!p2 .LBB2_11-.Ltmp1, $1  }
0x31: {  	_ =	sdelay $0x3  }
.LBB2_1:
0x32: {  	s13 =	simm.s32 $0x240;
	s0 =	simm.s32 $0x40  }
.LBB2_2:
0x33: {  	p2 =	sne.s32 s13, $0x9FC0;
	[tilespmem:s0+$0xA000] =	vst v0;
	s14 =	smov.u32 s13;
	s13 =	sadd.s32 $0x140, s13  }
.Ltmp2:
0x34: {  	[tilespmem:s0+$0x9FF0] =	vst v0;
	(pc) =	sbr.rel @p2 .LBB2_2-.Ltmp2, $4  }
0x35: {  	[tilespmem:s0+$0x9FE0] =	vst v0  }
0x36: {  	[tilespmem:s0+$0x9FC0] =	vst v0  }
0x37: {  	[tilespmem:s0+$0x9FD0] =	vst v0  }
0x38: {  	s0 =	sshra.s32 s14, $0x2  }
0x39: {  	[tilespmem:s0+$0xA000] =	vst v0  }
0x3a: {  	[tilespmem:s0+$0x9FF0] =	vst v0  }
0x3b: {  	[tilespmem:s0+$0x9FE0] =	vst v0  }
0x3c: {  	[tilespmem:s0+$0x9FC0] =	vst v0  }
0x3d: {  	[tilespmem:s0+$0x9FD0] =	vst v0  }
0x3e: {  	[spmem:s6] =	stream.linear.scatter [tilespmem:s19], [sflag:$0x3], $0x2800, $0x38;
	[tilespmem:$0x1B580] =	vst v63  }
0x3f: {  	_ =	swait.ge [sflag:s20], $0x2800  }
0x40: {  	[sflag:s20] =	ssyncset.done $0x0  }
0x41: {  	[sflag:s20] =	ssyncadd.s32 $0xFFFFD800  }
0x42: {  	[spmem:s7] =	stream.linear.scatter [tilespmem:s19], [sflag:$0x3], $0x2800, $0x38;
	[tilespmem:$0x1B580] =	vst v63  }
0x43: {  	_ =	swait.ge [sflag:s20], $0x2800  }
0x44: {  	[sflag:s20] =	ssyncset.done $0x0  }
0x45: {  	[sflag:s20] =	ssyncadd.s32 $0xFFFFD800  }
0x46: {  	[spmem:s8] =	stream.linear.scatter [tilespmem:s19], [sflag:$0x3], $0x2800, $0x38;
	[tilespmem:$0x1B580] =	vst v63  }
0x47: {  	_ =	swait.ge [sflag:s20], $0x2800  }
0x48: {  	[sflag:s20] =	ssyncset.done $0x0  }
0x49: {  	[sflag:s20] =	ssyncadd.s32 $0xFFFFD800  }
0x4a: {  	[spmem:s9] =	stream.linear.scatter [tilespmem:s19], [sflag:$0x3], $0x2800, $0x38;
	[tilespmem:$0x1B580] =	vst v63  }
0x4b: {  	_ =	swait.ge [sflag:s20], $0x2800  }
0x4c: {  	[sflag:s20] =	ssyncset.done $0x0  }
0x4d: {  	[sflag:s20] =	ssyncadd.s32 $0xFFFFD800  }
0x4e: {  	[spmem:s10] =	stream.linear.scatter [tilespmem:s19], [sflag:$0x3], $0x2580, $0x38;
	[tilespmem:$0x1B580] =	vst v63  }
0x4f: {  	_ =	swait.ge [sflag:s20], $0x2580  }
0x50: {  	[sflag:s20] =	ssyncset.done $0x0  }
0x51: {  	[sflag:s20] =	ssyncadd.s32 $0xFFFFDA80  }
0x52: {  	[bflag:$0x0] =	sbarrier.arrive $0xFFFF  }
0x53: {  	[tilespmem:s3], [sflag:$0x3] =	stream.linear.gather [hbm4b:s11+s3], $0x5000, $0x38;
	[tilespmem:$0x1B580] =	vst v63  }
0x54: {  	_ =	swait.ge [sflag:s20], $0x5000  }
0x55: {  	[sflag:s20] =	ssyncset.done $0x0  }
.Ltmp3:
0x56: {  	[sflag:s20] =	ssyncadd.s32 $0xFFFFB000;
	(pc) =	sbr.rel @p0 .LBB2_7-.Ltmp3, $4  }
0x57: {  	[tilespmem:s21], [sflag:$0x3] =	stream.linear.gather [hbm4b:s12+s3], $0x5000, $0x38;
	[tilespmem:$0x1B580] =	vst v63  }
0x58: {  	_ =	swait.ge [sflag:s20], $0x5000  }
0x59: {  	s0 =	sshll.u32 @!p1 s1, $0x6;
	s13 =	sshrl.u32 @p1 s15, $0x3;
	[sflag:s20] =	ssyncset.done $0x0  }
0x5a: {  	s31 =	sshrl.u32 @!p1 s6, $0x3;
	s0 =	sor.u32 @!p1 $0x1C03, s0;
	[sflag:s20] =	ssyncadd.s32 $0xFFFFB000  }
0x5b: {  	[tilespmem:s19], [sflag:$0x1] =	stream.indirect.gather [hbm4b:s4+s22], $0x50, s21, s22, $0xb8;
	[tilespmem:$0x1B580] =	vst v63  }
0x5c: {  	s14 =	simm.s32 $0x5080  }
0x5d: {  	[tilespmem:s24], [sflag:$0x2] =	stream.indirect.gather [hbm4b:s4+s22], $0x50, s14, s22, $0xb8;
	[tilespmem:$0x1B580] =	vst v63  }
0x5e: {  	_ =	swait.ge [sflag:s25], $0x2800  }
0x5f: {  	[sflag:s25] =	ssyncset.done $0x0  }
0x60: {  	s23 =	simm.s32 $0x0;
	[sflag:s25] =	ssyncadd.s32 $0xFFFFD800  }
0x61: {  	[spmem:s2] =	stream.indirect.scatter.add.f32 [tilespmem:s19], [sflag:$0x3], $0x50, s23, s22, $0xb8;
	[tilespmem:$0x1B580] =	vst v63  }
0x62: {  	_ =	swait.ge [sflag:s20], $0x2800  }
0x63: {  	[sflag:s20] =	ssyncset.done $0x0  }
0x64: {  	s16 =	simm.s32 $0x5100;
	[sflag:s20] =	ssyncadd.s32 $0xFFFFD800  }
0x65: {  	[tilespmem:s19], [sflag:$0x1] =	stream.indirect.gather [hbm4b:s4+s22], $0x50, s16, s22, $0xb8;
	[tilespmem:$0x1B580] =	vst v63  }
0x66: {  	_ =	swait.ge [sflag:s26], $0x2800  }
0x67: {  	[sflag:s26] =	ssyncset.done $0x0  }
0x68: {  	s23 =	simm.s32 $0x80;
	[sflag:s26] =	ssyncadd.s32 $0xFFFFD800  }
0x69: {  	[spmem:s2] =	stream.indirect.scatter.add.f32 [tilespmem:s24], [sflag:$0x3], $0x50, s23, s22, $0xb8;
	[tilespmem:$0x1B580] =	vst v63  }
0x6a: {  	_ =	swait.ge [sflag:s20], $0x2800  }
0x6b: {  	[sflag:s20] =	ssyncset.done $0x0  }
0x6c: {  	s14 =	simm.s32 $0x400;
	s23 =	simm.s32 $0x5180;
	[sflag:s20] =	ssyncadd.s32 $0xFFFFD800  }
.LBB2_5:
0x6d: {  	[tilespmem:s24], [sflag:$0x2] =	stream.indirect.gather [hbm4b:s4+s22], $0x50, s23, s22, $0xb8;
	[tilespmem:$0x1B580] =	vst v63  }
0x6e: {  	s23 =	smov.u32 s14  }
0x6f: {  	p2 =	sne.s32 s14, $0x13800;
	s14 =	sadd.s32 $0x400, s14;
	_ =	swait.ge [sflag:s25], $0x2800  }
0x70: {  	[sflag:s25] =	ssyncset.done $0x0  }
0x71: {  	s23 =	sshra.s32 s23, $0x2;
	[sflag:s25] =	ssyncadd.s32 $0xFFFFD800  }
0x72: {  	[spmem:s2] =	stream.indirect.scatter.add.f32 [tilespmem:s19], [sflag:$0x3], $0x50, s23, s22, $0xb8;
	[tilespmem:$0x1B580] =	vst v63  }
0x73: {  	_ =	swait.ge [sflag:s20], $0x2800  }
0x74: {  	[sflag:s20] =	ssyncset.done $0x0  }
0x75: {  	s16 =	sadd.s32 $0x5100, s23;
	[sflag:s20] =	ssyncadd.s32 $0xFFFFD800  }
0x76: {  	[tilespmem:s19], [sflag:$0x1] =	stream.indirect.gather [hbm4b:s4+s22], $0x50, s16, s22, $0xb8;
	[tilespmem:$0x1B580] =	vst v63  }
0x77: {  	_ =	swait.ge [sflag:s26], $0x2800  }
0x78: {  	[sflag:s26] =	ssyncset.done $0x0  }
.Ltmp4:
0x79: {  	s16 =	sadd.s32 $0x80, s23;
	[sflag:s26] =	ssyncadd.s32 $0xFFFFD800;
	(pc) =	sbr.rel @p2 .LBB2_5-.Ltmp4, $4  }
0x7a: {  	[spmem:s2] =	stream.indirect.scatter.add.f32 [tilespmem:s24], [sflag:$0x3], $0x50, s16, s22, $0xb8;
	[tilespmem:$0x1B580] =	vst v63  }
0x7b: {  	_ =	swait.ge [sflag:s20], $0x2800  }
0x7c: {  	[sflag:s20] =	ssyncset.done $0x0  }
0x7d: {  	s23 =	sadd.s32 $0x5180, s23;
	[sflag:s20] =	ssyncadd.s32 $0xFFFFD800  }
0x7e: {  	[tilespmem:s24], [sflag:$0x2] =	stream.indirect.gather [hbm4b:s4+s22], $0x50, s23, s22, $0xb8;
	[tilespmem:$0x1B580] =	vst v63  }
0x7f: {  	_ =	swait.ge [sflag:s25], $0x2800  }
0x80: {  	[sflag:s25] =	ssyncset.done $0x0  }
0x81: {  	[sflag:s25] =	ssyncadd.s32 $0xFFFFD800  }
0x82: {  	[spmem:s2] =	stream.indirect.scatter.add.f32 [tilespmem:s19], [sflag:$0x3], $0x50, s28, s22, $0xb8;
	[tilespmem:$0x1B580] =	vst v63  }
0x83: {  	_ =	swait.ge [sflag:s20], $0x2800  }
0x84: {  	[sflag:s20] =	ssyncset.done $0x0  }
0x85: {  	[sflag:s20] =	ssyncadd.s32 $0xFFFFD800  }
0x86: {  	_ =	swait.ge [sflag:s26], $0x2800  }
0x87: {  	[sflag:s26] =	ssyncset.done $0x0  }
0x88: {  	[sflag:s26] =	ssyncadd.s32 $0xFFFFD800  }
0x89: {  	[spmem:s2] =	stream.indirect.scatter.add.f32 [tilespmem:s24], [sflag:$0x3], $0x50, s29, s22, $0xb8;
	[tilespmem:$0x1B580] =	vst v63  }
0x8a: {  	_ =	swait.ge [sflag:s20], $0x2800  }
0x8b: {  	[sflag:s20] =	ssyncset.done $0x0  }
0x8c: {  	[sflag:s20] =	ssyncadd.s32 $0xFFFFD800  }
0x8d: {  	s14 =	simm.s32 @p1 $0x1FC3;
	[bflag:$0x0] =	sbarrier.arrive $0xFFFF  }
0x8e: {  	[hbm:s17], [sflag:s14] =	dma.local @p1 [spmem:s13], $0x1450  }
0x8f: {  	s13 =	simm.s32 @p1 $0x3  }
0x90: {  	_ =	swait.ge @p1 [sflag:s13], $0x1450  }
0x91: {  	[sflag:s13] =	ssyncset.done @p1 $0x0  }
0x92: {  	[sflag:s13] =	ssyncadd.s32 @p1 $0xFFFFEBB0;
	s13 =	rddreg [dreg:$0x5]  }
0x93: {  	[hbm:s13], [sflag:s0] =	dma.local @!p1 [spmem:s31], $0x18B0  }
.Ltmp5:
0x94: {  	_ = 	snop;
	(pc) =	sbr.rel .LBB2_10-.Ltmp5, $4  }
0x95: {  	s0 =	simm.s32 @!p1 $0x3  }
0x96: {  	_ =	swait.ge @!p1 [sflag:s0], $0x18B0  }
0x97: {  	[sflag:s0] =	ssyncset.done @!p1 $0x0  }
0x98: {  	[sflag:s0] =	ssyncadd.s32 @!p1 $0xFFFFE750  }
.LBB2_7:
0x99: {  	[tilespmem:s19], [sflag:$0x1] =	stream.indirect.gather [hbm4b:s5+s22], $0x50, s21, s22, $0xb8;
	[tilespmem:$0x1B580] =	vst v63  }
0x9a: {  	s14 =	simm.s32 $0x5080  }
0x9b: {  	[tilespmem:s24], [sflag:$0x2] =	stream.indirect.gather [hbm4b:s5+s22], $0x50, s14, s22, $0xb8;
	[tilespmem:$0x1B580] =	vst v63  }
0x9c: {  	_ =	swait.ge [sflag:s25], $0x2800  }
0x9d: {  	[sflag:s25] =	ssyncset.done $0x0  }
0x9e: {  	s23 =	simm.s32 $0x0;
	[sflag:s25] =	ssyncadd.s32 $0xFFFFD800  }
0x9f: {  	[spmem:s2] =	stream.indirect.scatter.add.f32 [tilespmem:s19], [sflag:$0x3], $0x50, s23, s22, $0xb8;
	[tilespmem:$0x1B580] =	vst v63  }
0xa0: {  	_ =	swait.ge [sflag:s20], $0x2800  }
0xa1: {  	[sflag:s20] =	ssyncset.done $0x0  }
0xa2: {  	s16 =	simm.s32 $0x5100;
	[sflag:s20] =	ssyncadd.s32 $0xFFFFD800  }
0xa3: {  	[tilespmem:s19], [sflag:$0x1] =	stream.indirect.gather [hbm4b:s5+s22], $0x50, s16, s22, $0xb8;
	[tilespmem:$0x1B580] =	vst v63  }
0xa4: {  	_ =	swait.ge [sflag:s26], $0x2800  }
0xa5: {  	[sflag:s26] =	ssyncset.done $0x0  }
0xa6: {  	s23 =	simm.s32 $0x80;
	[sflag:s26] =	ssyncadd.s32 $0xFFFFD800  }
0xa7: {  	[spmem:s2] =	stream.indirect.scatter.add.f32 [tilespmem:s24], [sflag:$0x3], $0x50, s23, s22, $0xb8;
	[tilespmem:$0x1B580] =	vst v63  }
0xa8: {  	_ =	swait.ge [sflag:s20], $0x2800  }
0xa9: {  	[sflag:s20] =	ssyncset.done $0x0  }
0xaa: {  	s14 =	simm.s32 $0x400;
	s23 =	simm.s32 $0x5180;
	[sflag:s20] =	ssyncadd.s32 $0xFFFFD800  }
.LBB2_8:
0xab: {  	[tilespmem:s24], [sflag:$0x2] =	stream.indirect.gather [hbm4b:s5+s22], $0x50, s23, s22, $0xb8;
	[tilespmem:$0x1B580] =	vst v63  }
0xac: {  	s16 =	smov.u32 s14  }
0xad: {  	p2 =	sne.s32 s14, $0x13800;
	s14 =	sadd.s32 $0x400, s14;
	_ =	swait.ge [sflag:s25], $0x2800  }
0xae: {  	[sflag:s25] =	ssyncset.done $0x0  }
0xaf: {  	s16 =	sshra.s32 s16, $0x2;
	[sflag:s25] =	ssyncadd.s32 $0xFFFFD800  }
0xb0: {  	[spmem:s2] =	stream.indirect.scatter.add.f32 [tilespmem:s19], [sflag:$0x3], $0x50, s16, s22, $0xb8;
	[tilespmem:$0x1B580] =	vst v63  }
0xb1: {  	_ =	swait.ge [sflag:s20], $0x2800  }
0xb2: {  	[sflag:s20] =	ssyncset.done $0x0  }
0xb3: {  	s23 =	sadd.s32 $0x5100, s16;
	[sflag:s20] =	ssyncadd.s32 $0xFFFFD800  }
0xb4: {  	[tilespmem:s19], [sflag:$0x1] =	stream.indirect.gather [hbm4b:s5+s22], $0x50, s23, s22, $0xb8;
	[tilespmem:$0x1B580] =	vst v63  }
0xb5: {  	_ =	swait.ge [sflag:s26], $0x2800  }
0xb6: {  	[sflag:s26] =	ssyncset.done $0x0  }
.Ltmp6:
0xb7: {  	s23 =	sadd.s32 $0x80, s16;
	[sflag:s26] =	ssyncadd.s32 $0xFFFFD800;
	(pc) =	sbr.rel @p2 .LBB2_8-.Ltmp6, $4  }
0xb8: {  	[spmem:s2] =	stream.indirect.scatter.add.f32 [tilespmem:s24], [sflag:$0x3], $0x50, s23, s22, $0xb8;
	[tilespmem:$0x1B580] =	vst v63  }
0xb9: {  	_ =	swait.ge [sflag:s20], $0x2800  }
0xba: {  	[sflag:s20] =	ssyncset.done $0x0  }
0xbb: {  	s23 =	sadd.s32 $0x5180, s16;
	[sflag:s20] =	ssyncadd.s32 $0xFFFFD800  }
.Ltmp7:
0xbc: {  	_ = 	snop;
	(pc) =	sbr.rel .LBB2_9-.Ltmp7, $1  }
0xbd: {  	_ =	sdelay $0x3  }
.LBB2_11:
0xbe: {  	_ =	sfence.sel $0x180000  }
0xbf: {  	[bflag:$0x0] =	sbarrier.arrive $0xFFFF  }
0xc0: {  	_ =	strace $0x90000047  }
0xc1: {  	[bflag:$0x2] =	sbarrier.arrive $0xFFFF  }
0xc2: {  	p0 =	sne.s32 s1, $0x0;
	s0 =	rddreg [dreg:$0x2]  }
0xc3: {  	s0 =	sadd.s32 @!p0 $0x100000, s0  }
0xc4: {  	[sflag:s0] =	ssyncadd.tile.s32 @!p0 $0x1;
	_ =	shalt  }
.Lfunc_end2:
_tile_overlayer_lowered:
.L_overlay_start_2:
0xc5: {  	(tag) =	ssettag $0x2  }
0xc6: {  	s0 =	rddreg [dreg:$0x0];
	s2 =	stileid.u32  }
0xc7: {  	s1 =	rddreg [dreg:$0x1];
	p0 =	sne.s32 s2, $0x0  }
0xc8: {  	s3 =	rddreg [dreg:$0x2];
	[bflag:$0x3] =	sbarrier.arrive $0xFFFF;
	s2 =	simm.s32 @!p0 $0x1C03  }
0xc9: {  	[timem:s3], [sflag:s2] =	dma.local @!p0 [hbm:s0], s1  }
0xca: {  	s0 =	simm.s32 @!p0 $0x3  }
0xcb: {  	_ =	swait.ge @!p0 [sflag:s0], s1  }
0xcc: {  	s1 =	ssub.s32 @!p0 $0x0, s1;
	[sflag:s0] =	ssyncset.done @!p0 $0x0  }
0xcd: {  	[sflag:s0] =	ssyncadd.s32 @!p0 s1  }
0xce: {  	[bflag:$0x3] =	sbarrier.arrive $0xFFFF  }
0xcf: {  	_ =	shalt  }

</sc_bundles>
